<compile_context>
chip_gen: v7x
topology: tpu7x:2x2x1
jax: 0.10.2.dev20260603
libtpu: 0.0.44.dev20260713+nightly
codegen_flags: <defaults>
</compile_context>

<pallas_src>
import functools

import jax
import jax.numpy as jnp
from jax import lax
from jax.experimental import pallas as pl
from jax.experimental.pallas import tpu as pltpu
from jax.experimental.pallas import tpu_sc as plsc

V = 50000
EXT = 51000
B = 128
T = 2048
K = 8
VP = 50048
NCH = VP // 128
NG = 97
RB = 8
NEG = -1e30
BIGID = 2**30

NC, NS = 2, 16
NW = NC * NS
RPW = B // NW
ACC_W = 51200


def _sc_body(vocab_hbm, attn_hbm, ids_hbm, t_hbm, g_hbm,
             ids0, ids1, attn0, attn1, loc_v, gid_v, vtile, t0, t1, g0, g1,
             z_v, sem_in0, sem_in1, sem_vt, sem_o0, sem_o1, acc):
    ids_v = (ids0, ids1)
    attn_v = (attn0, attn1)
    t_v = (t0, t1)
    g_v = (g0, g1)
    sem_in = (sem_in0, sem_in1)
    sem_o = (sem_o0, sem_o1)
    cid = lax.axis_index("c")
    sid = lax.axis_index("s")
    wid = sid * NC + cid
    base = sid * ACC_W

    def zf1(k, c):
        z_v[pl.ds(k * 16, 16)] = jnp.zeros((16,), jnp.float32)
        return c
    lax.fori_loop(0, T // 16, zf1, 0)

    def roff(i):
        return pl.multiple_of((wid * RPW + i) * T, T)

    pend_in = [
        (pltpu.async_copy(ids_hbm.at[pl.ds(roff(0), T)], ids_v[0], sem_in[0]),
         pltpu.async_copy(attn_hbm.at[pl.ds(roff(0), T)], attn_v[0], sem_in[0])),
        None,
    ]
    pend_out = [None, None]
    pend_vt = pltpu.async_copy(vocab_hbm.at[wid * RPW], vtile, sem_vt)

    for i in range(RPW):
        b = i % 2
        for cp in pend_in[b]:
            cp.wait()
        if i + 1 < RPW:
            pend_in[1 - b] = (
                pltpu.async_copy(ids_hbm.at[pl.ds(roff(i + 1), T)],
                                 ids_v[1 - b], sem_in[1 - b]),
                pltpu.async_copy(attn_hbm.at[pl.ds(roff(i + 1), T)],
                                 attn_v[1 - b], sem_in[1 - b]),
            )
        if pend_out[b] is not None:
            for cp in pend_out[b]:
                cp.wait()

        def ck(k, cc):
            sl = pl.ds(k * 16, 16)
            idv = ids_v[b][sl]
            loc_v[sl] = idv + base
            gid_v[sl] = jnp.minimum(idv, V - 1) + base
            return cc
        lax.fori_loop(0, T // 16, ck, 0)

        pltpu.sync_copy(z_v, acc.at[loc_v])
        pltpu.sync_copy(attn_v[b], acc.at[loc_v], add=True)
        pltpu.sync_copy(acc.at[loc_v], t_v[b])
        wt = pltpu.async_copy(t_v[b], t_hbm.at[pl.ds(roff(i), T)], sem_o[b])

        pend_vt.wait()
        pltpu.sync_copy(vtile, acc.at[pl.ds(base, V)])
        if i + 1 < RPW:
            pend_vt = pltpu.async_copy(vocab_hbm.at[wid * RPW + i + 1],
                                       vtile, sem_vt)
        pltpu.sync_copy(acc.at[gid_v], g_v[b])
        wg = pltpu.async_copy(g_v[b], g_hbm.at[pl.ds(roff(i), T)], sem_o[b])
        pend_out[b] = (wt, wg)

    for po in pend_out:
        if po is not None:
            for cp in po:
                cp.wait()


@functools.lru_cache(maxsize=1)
def _make_sc_call():
  return functools.partial(
    pl.kernel,
    mesh=plsc.VectorSubcoreMesh(core_axis_name="c", subcore_axis_name="s"),
    out_type=[
        jax.ShapeDtypeStruct((B * T,), jnp.float32),
        jax.ShapeDtypeStruct((B * T,), jnp.float32),
    ],
    scratch_types=[
        pltpu.VMEM((T,), jnp.int32),
        pltpu.VMEM((T,), jnp.int32),
        pltpu.VMEM((T,), jnp.float32),
        pltpu.VMEM((T,), jnp.float32),
        pltpu.VMEM((T,), jnp.int32),
        pltpu.VMEM((T,), jnp.int32),
        pltpu.VMEM((V,), jnp.float32),
        pltpu.VMEM((T,), jnp.float32),
        pltpu.VMEM((T,), jnp.float32),
        pltpu.VMEM((T,), jnp.float32),
        pltpu.VMEM((T,), jnp.float32),
        pltpu.VMEM((T,), jnp.float32),
        pltpu.SemaphoreType.DMA,
        pltpu.SemaphoreType.DMA,
        pltpu.SemaphoreType.DMA,
        pltpu.SemaphoreType.DMA,
        pltpu.SemaphoreType.DMA,
        pltpu.VMEM_SHARED((NS * ACC_W,), jnp.float32),
    ],
  )(_sc_body)


def _vocab_topk_body(x_ref, vo_ref, io_ref):
    x = x_ref[...].reshape(RB, NCH, 128)
    chunk = lax.broadcasted_iota(jnp.int32, (RB, NCH, 128), 1)
    lane3 = lax.broadcasted_iota(jnp.int32, (RB, NCH, 128), 2)
    lane2 = lax.broadcasted_iota(jnp.int32, (RB, 128), 1)
    x = jnp.where(chunk * 128 + lane3 < V, x, -1.0)

    cand_v = []
    cand_i = []
    for _ in range(K):
        m = jnp.max(x, axis=1, keepdims=True)
        pos = jnp.where(x == m, chunk, NCH)
        am = jnp.min(pos, axis=1, keepdims=True)
        cand_v.append(m)
        cand_i.append(am * 128 + lane3[:, :1, :])
        x = jnp.where(chunk == am, -2.0, x)
    cv = jnp.concatenate(cand_v, axis=1)
    ci = jnp.concatenate(cand_i, axis=1)

    vo = jnp.full((RB, 128), NEG, jnp.float32)
    io = jnp.full((RB, 128), BIGID, jnp.int32)
    for t in range(K):
        m2 = jnp.max(cv, axis=2, keepdims=True)
        m = jnp.max(m2, axis=1, keepdims=True)
        idc = jnp.where(cv == m, ci, BIGID)
        mid2 = jnp.min(idc, axis=2, keepdims=True)
        mid = jnp.min(mid2, axis=1, keepdims=True)
        vo = jnp.where(lane2 == t, m[:, 0, :], vo)
        io = jnp.where(lane2 == t, mid[:, 0, :], io)
        cv = jnp.where((cv == m) & (ci == mid), NEG, cv)
    vo_ref[...] = vo
    io_ref[...] = io


_k1_call = pl.pallas_call(
    _vocab_topk_body,
    grid=(B // RB,),
    in_specs=[pl.BlockSpec((RB, VP), lambda i: (i, 0))],
    out_specs=[
        pl.BlockSpec((RB, 128), lambda i: (i, 0)),
        pl.BlockSpec((RB, 128), lambda i: (i, 0)),
    ],
    out_shape=[
        jax.ShapeDtypeStruct((B, 128), jnp.float32),
        jax.ShapeDtypeStruct((B, 128), jnp.int32),
    ],
)


def _merge_body(t_ref, g_ref, id_ref, p_ref, vv_ref, vi_ref, ov_ref, oi_ref):
    p = p_ref[...][:, :1]
    tv = t_ref[...]
    ids = id_ref[...]
    gv = jnp.where(ids < V, g_ref[...], 0.0)
    sc_val = (1.0 - p) * tv + p * gv

    vt = p * vv_ref[...]
    cv = jnp.concatenate([sc_val.reshape(B, 16, 128), vt[:, None, :]], axis=1)
    ci = jnp.concatenate([ids.reshape(B, 16, 128), vi_ref[...][:, None, :]],
                         axis=1)
    lane2 = lax.broadcasted_iota(jnp.int32, (B, 128), 1)

    ov = jnp.full((B, 128), 0.0, jnp.float32)
    oi = jnp.full((B, 128), 0, jnp.int32)
    for t in range(K):
        m2 = jnp.max(cv, axis=2, keepdims=True)
        m = jnp.max(m2, axis=1, keepdims=True)
        idc = jnp.where(cv == m, ci, BIGID)
        mid2 = jnp.min(idc, axis=2, keepdims=True)
        mid = jnp.min(mid2, axis=1, keepdims=True)
        ov = jnp.where(lane2 == t, jnp.log(m[:, 0, :] + 1e-10), ov)
        oi = jnp.where(lane2 == t, mid[:, 0, :], oi)
        cv = jnp.where(ci == mid, NEG, cv)
    ov_ref[...] = ov
    oi_ref[...] = oi


_k2_call = pl.pallas_call(
    _merge_body,
    grid=(1,),
    in_specs=[
        pl.BlockSpec((B, T), lambda i: (0, 0)),
        pl.BlockSpec((B, T), lambda i: (0, 0)),
        pl.BlockSpec((B, T), lambda i: (0, 0)),
        pl.BlockSpec((B, 128), lambda i: (0, 0)),
        pl.BlockSpec((B, 128), lambda i: (0, 0)),
        pl.BlockSpec((B, 128), lambda i: (0, 0)),
    ],
    out_specs=[
        pl.BlockSpec((B, 128), lambda i: (0, 0)),
        pl.BlockSpec((B, 128), lambda i: (0, 0)),
    ],
    out_shape=[
        jax.ShapeDtypeStruct((B, 128), jnp.float32),
        jax.ShapeDtypeStruct((B, 128), jnp.int32),
    ],
)


def kernel(vocab_dists, attn_dists, p_gens, input_ids):
    ids = input_ids.astype(jnp.int32)
    t3, g3 = _make_sc_call()(vocab_dists, attn_dists.reshape(-1),
                             ids.reshape(-1))
    vv, vi = _k1_call(vocab_dists)
    pbc = jnp.broadcast_to(p_gens, (B, 128))
    lv, li = _k2_call(t3.reshape(B, T), g3.reshape(B, T), ids, pbc, vv, vi)
    return lv[:, :K], li[:, :K]

# --- scband reference (transcript-rebuilt; emitter-appended) ---
"""Pipeline reference for scband-pgnet-beam-serach-layer-68238440398931 (READ-ONLY COPY).

The authoritative reference and input builder live on the scoring server;
editing this copy changes nothing except your own understanding.
"""

import jax, jax.numpy as jnp
import numpy as np

VOCAB_SIZE = 50000
MAX_OOV = 1000
BEAM_SIZE = 4
BATCH = 128
ATTN_LEN = 2048


def setup_inputs(seed: int = 0) -> dict:
    key = jax.random.key(seed)
    k1, k2, k3, k4 = jax.random.split(key, 4)
    # vocab_dists / attn_dists are probability distributions (softmax outputs)
    vocab_dists = jax.nn.softmax(jax.random.normal(k1, (BATCH, VOCAB_SIZE), dtype=jnp.float32), axis=-1)
    attn_dists = jax.nn.softmax(jax.random.normal(k2, (BATCH, ATTN_LEN), dtype=jnp.float32), axis=-1)
    p_gens = jax.random.uniform(k3, (BATCH, 1), dtype=jnp.float32)
    # source token ids in the extended vocab (in-article OOVs get ids >= VOCAB_SIZE)
    input_ids = jax.random.randint(k4, (BATCH, ATTN_LEN), 0, VOCAB_SIZE + MAX_OOV)
    return {"vocab_dists": vocab_dists, "attn_dists": attn_dists, "p_gens": p_gens, "input_ids": input_ids}


def reference(vocab_dists, attn_dists, p_gens, input_ids):
    """One beam-search decode step of the pointer-generator network:
    mix generation and copy distributions over the extended vocabulary
    (FinalDistributionLayer), then take top 2*beam_size candidates."""
    batch = vocab_dists.shape[0]
    extended_vsize = VOCAB_SIZE + MAX_OOV
    # p_gen-weighted generation distribution
    vd = p_gens * vocab_dists
    # (1 - p_gen)-weighted copy (attention) distribution
    ad = (1.0 - p_gens) * attn_dists
    # extend vocab distribution with zeros for OOV slots
    extra_zeros = jnp.zeros((batch, MAX_OOV), dtype=vd.dtype)
    vocab_dists_extended = jnp.concatenate([vd, extra_zeros], axis=1)
    # scatter-add copy probs onto extended vocab positions (tf.scatter_nd)
    batch_nums = jnp.broadcast_to(jnp.arange(batch)[:, None], input_ids.shape)
    attn_dists_projected = jnp.zeros((batch, extended_vsize), dtype=vd.dtype).at[batch_nums, input_ids].add(ad)
    final_dists = vocab_dists_extended + attn_dists_projected
    # beam search: log-prob then top 2*beam_size candidates per beam
    log_probs = jnp.log(final_dists + 1e-10)
    topk_log_probs, topk_ids = jax.lax.top_k(log_probs, 2 * BEAM_SIZE)
    return topk_log_probs, topk_ids

if __name__ == "__main__":
    import jax
    _d = setup_inputs()
    print(jax.jit(kernel)(*tuple(_d.values())))

</pallas_src>

<mosaic_0001>
#map = affine_map<(d0, d1) -> (0, 0)>
#map1 = affine_map<(d0, d1) -> (0)>
module attributes {stable_mosaic.version = 14 : i64} {
  func.func @_sc_body(%arg0: i32, %arg1: i32, %arg2: memref<128x50000xf32, #tpu.memory_space<hbm>>, %arg3: memref<262144xf32, #tpu.memory_space<hbm>>, %arg4: memref<262144xi32, #tpu.memory_space<hbm>>, %arg5: memref<262144xf32, #tpu.memory_space<hbm>>, %arg6: memref<262144xf32, #tpu.memory_space<hbm>>, %arg7: memref<2048xi32, #tpu.memory_space<vmem>>, %arg8: memref<2048xi32, #tpu.memory_space<vmem>>, %arg9: memref<2048xf32, #tpu.memory_space<vmem>>, %arg10: memref<2048xf32, #tpu.memory_space<vmem>>, %arg11: memref<2048xi32, #tpu.memory_space<vmem>>, %arg12: memref<2048xi32, #tpu.memory_space<vmem>>, %arg13: memref<50000xf32, #tpu.memory_space<vmem>>, %arg14: memref<2048xf32, #tpu.memory_space<vmem>>, %arg15: memref<2048xf32, #tpu.memory_space<vmem>>, %arg16: memref<2048xf32, #tpu.memory_space<vmem>>, %arg17: memref<2048xf32, #tpu.memory_space<vmem>>, %arg18: memref<2048xf32, #tpu.memory_space<vmem>>, %arg19: memref<!tpu.dma_semaphore, #tpu.memory_space<semaphore_mem>>, %arg20: memref<!tpu.dma_semaphore, #tpu.memory_space<semaphore_mem>>, %arg21: memref<!tpu.dma_semaphore, #tpu.memory_space<semaphore_mem>>, %arg22: memref<!tpu.dma_semaphore, #tpu.memory_space<semaphore_mem>>, %arg23: memref<!tpu.dma_semaphore, #tpu.memory_space<semaphore_mem>>, %arg24: memref<819200xf32, #tpu.memory_space<vmem_shared>>) attributes {dimension_semantics = [#tpu.dimension_semantics<core_parallel>, #tpu.dimension_semantics<subcore_parallel>], iteration_bounds = array<i64: 2, 16>, scalar_prefetch = 0 : i64, scratch_operands = 18 : i64, tpu.core_type = #tpu.core_type<sc_vector_subcore>, window_params = [{transform_indices = #map}, {transform_indices = #map1}, {transform_indices = #map1}, {transform_indices = #map1}, {transform_indices = #map1}]} {
    %mul3A = arith.constant 2 : i32
    %mul3A_0 = arith.muli %arg1, %mul3A : i32
    %add3A = arith.addi %mul3A_0, %arg0 : i32
    %mul3A_1 = arith.constant 51200 : i32
    %mul3A_2 = arith.muli %arg1, %mul3A_1 : i32
    %scan3A = arith.constant 0 : i32
    %scan3A_3 = arith.constant 0 : i32
    %scan3A_4 = arith.constant 128 : i32
    %scan3A_5 = arith.addi %scan3A_3, %scan3A_4 : i32
    %scan3A_6 = arith.constant 1 : i32
    scf.for %scan3A_273 = %scan3A_3 to %scan3A_5 step %scan3A_6  : i32 {
      %broadcast_in_dim3A = arith.constant 0.000000e+00 : f32
      %broadcast_in_dim3A_274 = vector.broadcast %broadcast_in_dim3A : f32 to vector<16xf32>
      %mul3A_275 = arith.constant 16 : i32
      %mul3A_276 = arith.muli %scan3A_273, %mul3A_275 : i32
      %swap3A = arith.index_cast %mul3A_276 : i32 to index
      %swap3A_277 = tpu.vector_load %arg18[%swap3A] {strides = array<i32>} : memref<2048xf32, #tpu.memory_space<vmem>>, vector<16xf32>,
      %swap3A_278 = vector.shape_cast %swap3A_277 : vector<16xf32> to vector<16xf32>
      %swap3A_279 = vector.shape_cast %broadcast_in_dim3A_274 : vector<16xf32> to vector<16xf32>
      tpu.vector_store %arg18[%swap3A], %swap3A_279 {strides = array<i32>} : memref<2048xf32, #tpu.memory_space<vmem>>, vector<16xf32>,
    }
    %scan3A_7 = arith.constant 128 : i32
    %mul3A_8 = arith.constant 4 : i32
    %mul3A_9 = arith.muli %add3A, %mul3A_8 : i32
    %add3A_10 = arith.constant 0 : i32
    %add3A_11 = arith.addi %mul3A_9, %add3A_10 : i32
    %mul3A_12 = arith.constant 2048 : i32
    %mul3A_13 = arith.muli %add3A_11, %mul3A_12 : i32
    %multiple_of3A = tpu.assume_multiple %mul3A_13, 2048 : i32
    %dma_start3A = tpu.memref_slice %arg4[%multiple_of3A] : memref<262144xi32, #tpu.memory_space<hbm>> -> memref<2048xi32, #tpu.memory_space<hbm>>
    %dma_start3A_14 = tpu.memref_slice %arg4[%multiple_of3A] : memref<262144xi32, #tpu.memory_space<hbm>> -> memref<2048xi32, #tpu.memory_space<hbm>>
    tpu.enqueue_dma source(%dma_start3A_14 : memref<2048xi32, #tpu.memory_space<hbm>>) target(%arg7 : memref<2048xi32, #tpu.memory_space<vmem>>) target_semaphore(%arg19 : memref<!tpu.dma_semaphore, #tpu.memory_space<semaphore_mem>>)
    %mul3A_15 = arith.constant 4 : i32
    %mul3A_16 = arith.muli %add3A, %mul3A_15 : i32
    %add3A_17 = arith.constant 0 : i32
    %add3A_18 = arith.addi %mul3A_16, %add3A_17 : i32
    %mul3A_19 = arith.constant 2048 : i32
    %mul3A_20 = arith.muli %add3A_18, %mul3A_19 : i32
    %multiple_of3A_21 = tpu.assume_multiple %mul3A_20, 2048 : i32
    %dma_start3A_22 = tpu.memref_slice %arg3[%multiple_of3A_21] : memref<262144xf32, #tpu.memory_space<hbm>> -> memref<2048xf32, #tpu.memory_space<hbm>>
    %dma_start3A_23 = tpu.memref_slice %arg3[%multiple_of3A_21] : memref<262144xf32, #tpu.memory_space<hbm>> -> memref<2048xf32, #tpu.memory_space<hbm>>
    tpu.enqueue_dma source(%dma_start3A_23 : memref<2048xf32, #tpu.memory_space<hbm>>) target(%arg9 : memref<2048xf32, #tpu.memory_space<vmem>>) target_semaphore(%arg19 : memref<!tpu.dma_semaphore, #tpu.memory_space<semaphore_mem>>)
    %mul3A_24 = arith.constant 4 : i32
    %mul3A_25 = arith.muli %add3A, %mul3A_24 : i32
    %dma_start3A_26 = arith.constant 0 : i32
    %dma_start3A_27 = tpu.memref_slice %arg2[%mul3A_25, %dma_start3A_26] : memref<128x50000xf32, #tpu.memory_space<hbm>> -> memref<1x50000xf32, #tpu.memory_space<hbm>>
    %dma_start3A_28 = tpu.memref_squeeze %dma_start3A_27 : memref<1x50000xf32, #tpu.memory_space<hbm>> -> memref<50000xf32, #tpu.memory_space<hbm>>
    %dma_start3A_29 = arith.constant 0 : i32
    %dma_start3A_30 = tpu.memref_slice %arg2[%mul3A_25, %dma_start3A_29] : memref<128x50000xf32, #tpu.memory_space<hbm>> -> memref<1x50000xf32, #tpu.memory_space<hbm>>
    %dma_start3A_31 = tpu.memref_squeeze %dma_start3A_30 : memref<1x50000xf32, #tpu.memory_space<hbm>> -> memref<50000xf32, #tpu.memory_space<hbm>>
    tpu.enqueue_dma source(%dma_start3A_31 : memref<50000xf32, #tpu.memory_space<hbm>>) target(%arg13 : memref<50000xf32, #tpu.memory_space<vmem>>) target_semaphore(%arg21 : memref<!tpu.dma_semaphore, #tpu.memory_space<semaphore_mem>>)
    %dma_wait3A = tpu.memref_slice %arg4[%multiple_of3A] : memref<262144xi32, #tpu.memory_space<hbm>> -> memref<2048xi32, #tpu.memory_space<hbm>>
    %dma_wait3A_32 = tpu.memref_slice %arg4[%multiple_of3A] : memref<262144xi32, #tpu.memory_space<hbm>> -> memref<2048xi32, #tpu.memory_space<hbm>>
    tpu.wait_dma2 semaphore(%arg19 : memref<!tpu.dma_semaphore, #tpu.memory_space<semaphore_mem>>) src(%dma_wait3A_32 : memref<2048xi32, #tpu.memory_space<hbm>>) dst(%arg7 : memref<2048xi32, #tpu.memory_space<vmem>>)
    %dma_wait3A_33 = tpu.memref_slice %arg3[%multiple_of3A_21] : memref<262144xf32, #tpu.memory_space<hbm>> -> memref<2048xf32, #tpu.memory_space<hbm>>
    %dma_wait3A_34 = tpu.memref_slice %arg3[%multiple_of3A_21] : memref<262144xf32, #tpu.memory_space<hbm>> -> memref<2048xf32, #tpu.memory_space<hbm>>
    tpu.wait_dma2 semaphore(%arg19 : memref<!tpu.dma_semaphore, #tpu.memory_space<semaphore_mem>>) src(%dma_wait3A_34 : memref<2048xf32, #tpu.memory_space<hbm>>) dst(%arg9 : memref<2048xf32, #tpu.memory_space<vmem>>)
    %mul3A_35 = arith.constant 4 : i32
    %mul3A_36 = arith.muli %add3A, %mul3A_35 : i32
    %add3A_37 = arith.constant 1 : i32
    %add3A_38 = arith.addi %mul3A_36, %add3A_37 : i32
    %mul3A_39 = arith.constant 2048 : i32
    %mul3A_40 = arith.muli %add3A_38, %mul3A_39 : i32
    %multiple_of3A_41 = tpu.assume_multiple %mul3A_40, 2048 : i32
    %dma_start3A_42 = tpu.memref_slice %arg4[%multiple_of3A_41] : memref<262144xi32, #tpu.memory_space<hbm>> -> memref<2048xi32, #tpu.memory_space<hbm>>
    %dma_start3A_43 = tpu.memref_slice %arg4[%multiple_of3A_41] : memref<262144xi32, #tpu.memory_space<hbm>> -> memref<2048xi32, #tpu.memory_space<hbm>>
    tpu.enqueue_dma source(%dma_start3A_43 : memref<2048xi32, #tpu.memory_space<hbm>>) target(%arg8 : memref<2048xi32, #tpu.memory_space<vmem>>) target_semaphore(%arg20 : memref<!tpu.dma_semaphore, #tpu.memory_space<semaphore_mem>>)
    %mul3A_44 = arith.constant 4 : i32
    %mul3A_45 = arith.muli %add3A, %mul3A_44 : i32
    %add3A_46 = arith.constant 1 : i32
    %add3A_47 = arith.addi %mul3A_45, %add3A_46 : i32
    %mul3A_48 = arith.constant 2048 : i32
    %mul3A_49 = arith.muli %add3A_47, %mul3A_48 : i32
    %multiple_of3A_50 = tpu.assume_multiple %mul3A_49, 2048 : i32
    %dma_start3A_51 = tpu.memref_slice %arg3[%multiple_of3A_50] : memref<262144xf32, #tpu.memory_space<hbm>> -> memref<2048xf32, #tpu.memory_space<hbm>>
    %dma_start3A_52 = tpu.memref_slice %arg3[%multiple_of3A_50] : memref<262144xf32, #tpu.memory_space<hbm>> -> memref<2048xf32, #tpu.memory_space<hbm>>
    tpu.enqueue_dma source(%dma_start3A_52 : memref<2048xf32, #tpu.memory_space<hbm>>) target(%arg10 : memref<2048xf32, #tpu.memory_space<vmem>>) target_semaphore(%arg20 : memref<!tpu.dma_semaphore, #tpu.memory_space<semaphore_mem>>)
    %scan3A_53 = arith.constant 0 : i32
    %scan3A_54 = arith.constant 0 : i32
    %scan3A_55 = arith.constant 128 : i32
    %scan3A_56 = arith.addi %scan3A_54, %scan3A_55 : i32
    %scan3A_57 = arith.constant 1 : i32
    scf.for %scan3A_273 = %scan3A_54 to %scan3A_56 step %scan3A_57  : i32 {
      %mul3A_274 = arith.constant 16 : i32
      %mul3A_275 = arith.muli %scan3A_273, %mul3A_274 : i32
      %get3A = arith.index_cast %mul3A_275 : i32 to index
      %get3A_276 = tpu.vector_load %arg7[%get3A] {strides = array<i32>} : memref<2048xi32, #tpu.memory_space<vmem>>, vector<16xi32>,
      %get3A_277 = vector.shape_cast %get3A_276 : vector<16xi32> to vector<16xi32>
      %add3A_278 = vector.broadcast %mul3A_2 : i32 to vector<16xi32>
      %add3A_279 = arith.addi %get3A_277, %add3A_278 : vector<16xi32>
      %swap3A = arith.index_cast %mul3A_275 : i32 to index
      %swap3A_280 = tpu.vector_load %arg11[%swap3A] {strides = array<i32>} : memref<2048xi32, #tpu.memory_space<vmem>>, vector<16xi32>,
      %swap3A_281 = vector.shape_cast %swap3A_280 : vector<16xi32> to vector<16xi32>
      %swap3A_282 = vector.shape_cast %add3A_279 : vector<16xi32> to vector<16xi32>
      tpu.vector_store %arg11[%swap3A], %swap3A_282 {strides = array<i32>} : memref<2048xi32, #tpu.memory_space<vmem>>, vector<16xi32>,
      %min3A = arith.constant 49999 : i32
      %min3A_283 = vector.broadcast %min3A : i32 to vector<16xi32>
      %min3A_284 = arith.minsi %get3A_277, %min3A_283 : vector<16xi32>
      %add3A_285 = vector.broadcast %mul3A_2 : i32 to vector<16xi32>
      %add3A_286 = arith.addi %min3A_284, %add3A_285 : vector<16xi32>
      %swap3A_287 = arith.index_cast %mul3A_275 : i32 to index
      %swap3A_288 = tpu.vector_load %arg12[%swap3A_287] {strides = array<i32>} : memref<2048xi32, #tpu.memory_space<vmem>>, vector<16xi32>,
      %swap3A_289 = vector.shape_cast %swap3A_288 : vector<16xi32> to vector<16xi32>
      %swap3A_290 = vector.shape_cast %add3A_286 : vector<16xi32> to vector<16xi32>
      tpu.vector_store %arg12[%swap3A_287], %swap3A_290 {strides = array<i32>} : memref<2048xi32, #tpu.memory_space<vmem>>, vector<16xi32>,
    }
    %scan3A_58 = arith.constant 128 : i32
    "tpu.region"() ({
      %run_scoped3A = tpu.sem_alloc : memref<!tpu.dma_semaphore, #tpu.memory_space<semaphore_mem>>
      %dma_start3A_273 = arith.constant 0 : i32
      %dma_start3A_274 = tpu.memref_slice %arg24[%dma_start3A_273] : memref<819200xf32, #tpu.memory_space<vmem_shared>> -> memref<819200xf32, #tpu.memory_space<vmem_shared>>
      tpu.enqueue_indirect_dma source(%arg18 : memref<2048xf32, #tpu.memory_space<vmem>>) target(%dma_start3A_274 : memref<819200xf32, #tpu.memory_space<vmem_shared>>) offsets(%arg11 : memref<2048xi32, #tpu.memory_space<vmem>>) semaphore(%run_scoped3A : memref<!tpu.dma_semaphore, #tpu.memory_space<semaphore_mem>>)
      %dma_wait3A_275 = arith.constant 0 : i32
      %dma_wait3A_276 = tpu.memref_slice %arg24[%dma_wait3A_275] : memref<819200xf32, #tpu.memory_space<vmem_shared>> -> memref<819200xf32, #tpu.memory_space<vmem_shared>>
      tpu.wait_indirect_dma semaphore(%run_scoped3A : memref<!tpu.dma_semaphore, #tpu.memory_space<semaphore_mem>>) src(%arg18 : memref<2048xf32, #tpu.memory_space<vmem>>) dst(%dma_wait3A_276 : memref<819200xf32, #tpu.memory_space<vmem_shared>>)
      tpu.yield
    }) : () -> ()
    "tpu.region"() ({
      %run_scoped3A = tpu.sem_alloc : memref<!tpu.dma_semaphore, #tpu.memory_space<semaphore_mem>>
      %dma_start3A_273 = arith.constant 0 : i32
      %dma_start3A_274 = tpu.memref_slice %arg24[%dma_start3A_273] : memref<819200xf32, #tpu.memory_space<vmem_shared>> -> memref<819200xf32, #tpu.memory_space<vmem_shared>>
      tpu.enqueue_indirect_dma source(%arg9 : memref<2048xf32, #tpu.memory_space<vmem>>) target(%dma_start3A_274 : memref<819200xf32, #tpu.memory_space<vmem_shared>>) offsets(%arg11 : memref<2048xi32, #tpu.memory_space<vmem>>) semaphore(%run_scoped3A : memref<!tpu.dma_semaphore, #tpu.memory_space<semaphore_mem>>) {add = true}
      %dma_wait3A_275 = arith.constant 0 : i32
      %dma_wait3A_276 = tpu.memref_slice %arg24[%dma_wait3A_275] : memref<819200xf32, #tpu.memory_space<vmem_shared>> -> memref<819200xf32, #tpu.memory_space<vmem_shared>>
      tpu.wait_indirect_dma semaphore(%run_scoped3A : memref<!tpu.dma_semaphore, #tpu.memory_space<semaphore_mem>>) src(%arg9 : memref<2048xf32, #tpu.memory_space<vmem>>) dst(%dma_wait3A_276 : memref<819200xf32, #tpu.memory_space<vmem_shared>>)
      tpu.yield
    }) : () -> ()
    "tpu.region"() ({
      %run_scoped3A = tpu.sem_alloc : memref<!tpu.dma_semaphore, #tpu.memory_space<semaphore_mem>>
      %dma_start3A_273 = arith.constant 0 : i32
      %dma_start3A_274 = tpu.memref_slice %arg24[%dma_start3A_273] : memref<819200xf32, #tpu.memory_space<vmem_shared>> -> memref<819200xf32, #tpu.memory_space<vmem_shared>>
      tpu.enqueue_indirect_dma source(%dma_start3A_274 : memref<819200xf32, #tpu.memory_space<vmem_shared>>) target(%arg14 : memref<2048xf32, #tpu.memory_space<vmem>>) offsets(%arg11 : memref<2048xi32, #tpu.memory_space<vmem>>) semaphore(%run_scoped3A : memref<!tpu.dma_semaphore, #tpu.memory_space<semaphore_mem>>)
      %dma_wait3A_275 = arith.constant 0 : i32
      %dma_wait3A_276 = tpu.memref_slice %arg24[%dma_wait3A_275] : memref<819200xf32, #tpu.memory_space<vmem_shared>> -> memref<819200xf32, #tpu.memory_space<vmem_shared>>
      tpu.wait_indirect_dma semaphore(%run_scoped3A : memref<!tpu.dma_semaphore, #tpu.memory_space<semaphore_mem>>) src(%dma_wait3A_276 : memref<819200xf32, #tpu.memory_space<vmem_shared>>) dst(%arg14 : memref<2048xf32, #tpu.memory_space<vmem>>)
      tpu.yield
    }) : () -> ()
    %mul3A_59 = arith.constant 4 : i32
    %mul3A_60 = arith.muli %add3A, %mul3A_59 : i32
    %add3A_61 = arith.constant 0 : i32
    %add3A_62 = arith.addi %mul3A_60, %add3A_61 : i32
    %mul3A_63 = arith.constant 2048 : i32
    %mul3A_64 = arith.muli %add3A_62, %mul3A_63 : i32
    %multiple_of3A_65 = tpu.assume_multiple %mul3A_64, 2048 : i32
    %dma_start3A_66 = tpu.memref_slice %arg5[%multiple_of3A_65] : memref<262144xf32, #tpu.memory_space<hbm>> -> memref<2048xf32, #tpu.memory_space<hbm>>
    %dma_start3A_67 = tpu.memref_slice %arg5[%multiple_of3A_65] : memref<262144xf32, #tpu.memory_space<hbm>> -> memref<2048xf32, #tpu.memory_space<hbm>>
    tpu.enqueue_dma source(%arg14 : memref<2048xf32, #tpu.memory_space<vmem>>) target(%dma_start3A_67 : memref<2048xf32, #tpu.memory_space<hbm>>) target_semaphore(%arg22 : memref<!tpu.dma_semaphore, #tpu.memory_space<semaphore_mem>>)
    %dma_wait3A_68 = arith.constant 0 : i32
    %dma_wait3A_69 = tpu.memref_slice %arg2[%mul3A_25, %dma_wait3A_68] : memref<128x50000xf32, #tpu.memory_space<hbm>> -> memref<1x50000xf32, #tpu.memory_space<hbm>>
    %dma_wait3A_70 = tpu.memref_squeeze %dma_wait3A_69 : memref<1x50000xf32, #tpu.memory_space<hbm>> -> memref<50000xf32, #tpu.memory_space<hbm>>
    %dma_wait3A_71 = arith.constant 0 : i32
    %dma_wait3A_72 = tpu.memref_slice %arg2[%mul3A_25, %dma_wait3A_71] : memref<128x50000xf32, #tpu.memory_space<hbm>> -> memref<1x50000xf32, #tpu.memory_space<hbm>>
    %dma_wait3A_73 = tpu.memref_squeeze %dma_wait3A_72 : memref<1x50000xf32, #tpu.memory_space<hbm>> -> memref<50000xf32, #tpu.memory_space<hbm>>
    tpu.wait_dma2 semaphore(%arg21 : memref<!tpu.dma_semaphore, #tpu.memory_space<semaphore_mem>>) src(%dma_wait3A_73 : memref<50000xf32, #tpu.memory_space<hbm>>) dst(%arg13 : memref<50000xf32, #tpu.memory_space<vmem>>)
    "tpu.region"() ({
      %run_scoped3A = tpu.sem_alloc : memref<!tpu.dma_semaphore, #tpu.memory_space<semaphore_mem>>
      %dma_start3A_273 = tpu.memref_slice %arg24[%mul3A_2] : memref<819200xf32, #tpu.memory_space<vmem_shared>> -> memref<50000xf32, #tpu.memory_space<vmem_shared>>
      %dma_start3A_274 = tpu.memref_slice %arg24[%mul3A_2] : memref<819200xf32, #tpu.memory_space<vmem_shared>> -> memref<50000xf32, #tpu.memory_space<vmem_shared>>
      tpu.enqueue_dma source(%arg13 : memref<50000xf32, #tpu.memory_space<vmem>>) target(%dma_start3A_274 : memref<50000xf32, #tpu.memory_space<vmem_shared>>) target_semaphore(%run_scoped3A : memref<!tpu.dma_semaphore, #tpu.memory_space<semaphore_mem>>)
      %dma_wait3A_275 = tpu.memref_slice %arg24[%mul3A_2] : memref<819200xf32, #tpu.memory_space<vmem_shared>> -> memref<50000xf32, #tpu.memory_space<vmem_shared>>
      %dma_wait3A_276 = tpu.memref_slice %arg24[%mul3A_2] : memref<819200xf32, #tpu.memory_space<vmem_shared>> -> memref<50000xf32, #tpu.memory_space<vmem_shared>>
      tpu.wait_dma2 semaphore(%run_scoped3A : memref<!tpu.dma_semaphore, #tpu.memory_space<semaphore_mem>>) src(%arg13 : memref<50000xf32, #tpu.memory_space<vmem>>) dst(%dma_wait3A_276 : memref<50000xf32, #tpu.memory_space<vmem_shared>>)
      tpu.yield
    }) : () -> ()
    %mul3A_74 = arith.constant 4 : i32
    %mul3A_75 = arith.muli %add3A, %mul3A_74 : i32
    %add3A_76 = arith.constant 0 : i32
    %add3A_77 = arith.addi %mul3A_75, %add3A_76 : i32
    %add3A_78 = arith.constant 1 : i32
    %add3A_79 = arith.addi %add3A_77, %add3A_78 : i32
    %dma_start3A_80 = arith.constant 0 : i32
    %dma_start3A_81 = tpu.memref_slice %arg2[%add3A_79, %dma_start3A_80] : memref<128x50000xf32, #tpu.memory_space<hbm>> -> memref<1x50000xf32, #tpu.memory_space<hbm>>
    %dma_start3A_82 = tpu.memref_squeeze %dma_start3A_81 : memref<1x50000xf32, #tpu.memory_space<hbm>> -> memref<50000xf32, #tpu.memory_space<hbm>>
    %dma_start3A_83 = arith.constant 0 : i32
    %dma_start3A_84 = tpu.memref_slice %arg2[%add3A_79, %dma_start3A_83] : memref<128x50000xf32, #tpu.memory_space<hbm>> -> memref<1x50000xf32, #tpu.memory_space<hbm>>
    %dma_start3A_85 = tpu.memref_squeeze %dma_start3A_84 : memref<1x50000xf32, #tpu.memory_space<hbm>> -> memref<50000xf32, #tpu.memory_space<hbm>>
    tpu.enqueue_dma source(%dma_start3A_85 : memref<50000xf32, #tpu.memory_space<hbm>>) target(%arg13 : memref<50000xf32, #tpu.memory_space<vmem>>) target_semaphore(%arg21 : memref<!tpu.dma_semaphore, #tpu.memory_space<semaphore_mem>>)
    "tpu.region"() ({
      %run_scoped3A = tpu.sem_alloc : memref<!tpu.dma_semaphore, #tpu.memory_space<semaphore_mem>>
      %dma_start3A_273 = arith.constant 0 : i32
      %dma_start3A_274 = tpu.memref_slice %arg24[%dma_start3A_273] : memref<819200xf32, #tpu.memory_space<vmem_shared>> -> memref<819200xf32, #tpu.memory_space<vmem_shared>>
      tpu.enqueue_indirect_dma source(%dma_start3A_274 : memref<819200xf32, #tpu.memory_space<vmem_shared>>) target(%arg16 : memref<2048xf32, #tpu.memory_space<vmem>>) offsets(%arg12 : memref<2048xi32, #tpu.memory_space<vmem>>) semaphore(%run_scoped3A : memref<!tpu.dma_semaphore, #tpu.memory_space<semaphore_mem>>)
      %dma_wait3A_275 = arith.constant 0 : i32
      %dma_wait3A_276 = tpu.memref_slice %arg24[%dma_wait3A_275] : memref<819200xf32, #tpu.memory_space<vmem_shared>> -> memref<819200xf32, #tpu.memory_space<vmem_shared>>
      tpu.wait_indirect_dma semaphore(%run_scoped3A : memref<!tpu.dma_semaphore, #tpu.memory_space<semaphore_mem>>) src(%dma_wait3A_276 : memref<819200xf32, #tpu.memory_space<vmem_shared>>) dst(%arg16 : memref<2048xf32, #tpu.memory_space<vmem>>)
      tpu.yield
    }) : () -> ()
    %mul3A_86 = arith.constant 4 : i32
    %mul3A_87 = arith.muli %add3A, %mul3A_86 : i32
    %add3A_88 = arith.constant 0 : i32
    %add3A_89 = arith.addi %mul3A_87, %add3A_88 : i32
    %mul3A_90 = arith.constant 2048 : i32
    %mul3A_91 = arith.muli %add3A_89, %mul3A_90 : i32
    %multiple_of3A_92 = tpu.assume_multiple %mul3A_91, 2048 : i32
    %dma_start3A_93 = tpu.memref_slice %arg6[%multiple_of3A_92] : memref<262144xf32, #tpu.memory_space<hbm>> -> memref<2048xf32, #tpu.memory_space<hbm>>
    %dma_start3A_94 = tpu.memref_slice %arg6[%multiple_of3A_92] : memref<262144xf32, #tpu.memory_space<hbm>> -> memref<2048xf32, #tpu.memory_space<hbm>>
    tpu.enqueue_dma source(%arg16 : memref<2048xf32, #tpu.memory_space<vmem>>) target(%dma_start3A_94 : memref<2048xf32, #tpu.memory_space<hbm>>) target_semaphore(%arg22 : memref<!tpu.dma_semaphore, #tpu.memory_space<semaphore_mem>>)
    %dma_wait3A_95 = tpu.memref_slice %arg4[%multiple_of3A_41] : memref<262144xi32, #tpu.memory_space<hbm>> -> memref<2048xi32, #tpu.memory_space<hbm>>
    %dma_wait3A_96 = tpu.memref_slice %arg4[%multiple_of3A_41] : memref<262144xi32, #tpu.memory_space<hbm>> -> memref<2048xi32, #tpu.memory_space<hbm>>
    tpu.wait_dma2 semaphore(%arg20 : memref<!tpu.dma_semaphore, #tpu.memory_space<semaphore_mem>>) src(%dma_wait3A_96 : memref<2048xi32, #tpu.memory_space<hbm>>) dst(%arg8 : memref<2048xi32, #tpu.memory_space<vmem>>)
    %dma_wait3A_97 = tpu.memref_slice %arg3[%multiple_of3A_50] : memref<262144xf32, #tpu.memory_space<hbm>> -> memref<2048xf32, #tpu.memory_space<hbm>>
    %dma_wait3A_98 = tpu.memref_slice %arg3[%multiple_of3A_50] : memref<262144xf32, #tpu.memory_space<hbm>> -> memref<2048xf32, #tpu.memory_space<hbm>>
    tpu.wait_dma2 semaphore(%arg20 : memref<!tpu.dma_semaphore, #tpu.memory_space<semaphore_mem>>) src(%dma_wait3A_98 : memref<2048xf32, #tpu.memory_space<hbm>>) dst(%arg10 : memref<2048xf32, #tpu.memory_space<vmem>>)
    %mul3A_99 = arith.constant 4 : i32
    %mul3A_100 = arith.muli %add3A, %mul3A_99 : i32
    %add3A_101 = arith.constant 2 : i32
    %add3A_102 = arith.addi %mul3A_100, %add3A_101 : i32
    %mul3A_103 = arith.constant 2048 : i32
    %mul3A_104 = arith.muli %add3A_102, %mul3A_103 : i32
    %multiple_of3A_105 = tpu.assume_multiple %mul3A_104, 2048 : i32
    %dma_start3A_106 = tpu.memref_slice %arg4[%multiple_of3A_105] : memref<262144xi32, #tpu.memory_space<hbm>> -> memref<2048xi32, #tpu.memory_space<hbm>>
    %dma_start3A_107 = tpu.memref_slice %arg4[%multiple_of3A_105] : memref<262144xi32, #tpu.memory_space<hbm>> -> memref<2048xi32, #tpu.memory_space<hbm>>
    tpu.enqueue_dma source(%dma_start3A_107 : memref<2048xi32, #tpu.memory_space<hbm>>) target(%arg7 : memref<2048xi32, #tpu.memory_space<vmem>>) target_semaphore(%arg19 : memref<!tpu.dma_semaphore, #tpu.memory_space<semaphore_mem>>)
    %mul3A_108 = arith.constant 4 : i32
    %mul3A_109 = arith.muli %add3A, %mul3A_108 : i32
    %add3A_110 = arith.constant 2 : i32
    %add3A_111 = arith.addi %mul3A_109, %add3A_110 : i32
    %mul3A_112 = arith.constant 2048 : i32
    %mul3A_113 = arith.muli %add3A_111, %mul3A_112 : i32
    %multiple_of3A_114 = tpu.assume_multiple %mul3A_113, 2048 : i32
    %dma_start3A_115 = tpu.memref_slice %arg3[%multiple_of3A_114] : memref<262144xf32, #tpu.memory_space<hbm>> -> memref<2048xf32, #tpu.memory_space<hbm>>
    %dma_start3A_116 = tpu.memref_slice %arg3[%multiple_of3A_114] : memref<262144xf32, #tpu.memory_space<hbm>> -> memref<2048xf32, #tpu.memory_space<hbm>>
    tpu.enqueue_dma source(%dma_start3A_116 : memref<2048xf32, #tpu.memory_space<hbm>>) target(%arg9 : memref<2048xf32, #tpu.memory_space<vmem>>) target_semaphore(%arg19 : memref<!tpu.dma_semaphore, #tpu.memory_space<semaphore_mem>>)
    %scan3A_117 = arith.constant 0 : i32
    %scan3A_118 = arith.constant 0 : i32
    %scan3A_119 = arith.constant 128 : i32
    %scan3A_120 = arith.addi %scan3A_118, %scan3A_119 : i32
    %scan3A_121 = arith.constant 1 : i32
    scf.for %scan3A_273 = %scan3A_118 to %scan3A_120 step %scan3A_121  : i32 {
      %mul3A_274 = arith.constant 16 : i32
      %mul3A_275 = arith.muli %scan3A_273, %mul3A_274 : i32
      %get3A = arith.index_cast %mul3A_275 : i32 to index
      %get3A_276 = tpu.vector_load %arg8[%get3A] {strides = array<i32>} : memref<2048xi32, #tpu.memory_space<vmem>>, vector<16xi32>,
      %get3A_277 = vector.shape_cast %get3A_276 : vector<16xi32> to vector<16xi32>
      %add3A_278 = vector.broadcast %mul3A_2 : i32 to vector<16xi32>
      %add3A_279 = arith.addi %get3A_277, %add3A_278 : vector<16xi32>
      %swap3A = arith.index_cast %mul3A_275 : i32 to index
      %swap3A_280 = tpu.vector_load %arg11[%swap3A] {strides = array<i32>} : memref<2048xi32, #tpu.memory_space<vmem>>, vector<16xi32>,
      %swap3A_281 = vector.shape_cast %swap3A_280 : vector<16xi32> to vector<16xi32>
      %swap3A_282 = vector.shape_cast %add3A_279 : vector<16xi32> to vector<16xi32>
      tpu.vector_store %arg11[%swap3A], %swap3A_282 {strides = array<i32>} : memref<2048xi32, #tpu.memory_space<vmem>>, vector<16xi32>,
      %min3A = arith.constant 49999 : i32
      %min3A_283 = vector.broadcast %min3A : i32 to vector<16xi32>
      %min3A_284 = arith.minsi %get3A_277, %min3A_283 : vector<16xi32>
      %add3A_285 = vector.broadcast %mul3A_2 : i32 to vector<16xi32>
      %add3A_286 = arith.addi %min3A_284, %add3A_285 : vector<16xi32>
      %swap3A_287 = arith.index_cast %mul3A_275 : i32 to index
      %swap3A_288 = tpu.vector_load %arg12[%swap3A_287] {strides = array<i32>} : memref<2048xi32, #tpu.memory_space<vmem>>, vector<16xi32>,
      %swap3A_289 = vector.shape_cast %swap3A_288 : vector<16xi32> to vector<16xi32>
      %swap3A_290 = vector.shape_cast %add3A_286 : vector<16xi32> to vector<16xi32>
      tpu.vector_store %arg12[%swap3A_287], %swap3A_290 {strides = array<i32>} : memref<2048xi32, #tpu.memory_space<vmem>>, vector<16xi32>,
    }
    %scan3A_122 = arith.constant 128 : i32
    "tpu.region"() ({
      %run_scoped3A = tpu.sem_alloc : memref<!tpu.dma_semaphore, #tpu.memory_space<semaphore_mem>>
      %dma_start3A_273 = arith.constant 0 : i32
      %dma_start3A_274 = tpu.memref_slice %arg24[%dma_start3A_273] : memref<819200xf32, #tpu.memory_space<vmem_shared>> -> memref<819200xf32, #tpu.memory_space<vmem_shared>>
      tpu.enqueue_indirect_dma source(%arg18 : memref<2048xf32, #tpu.memory_space<vmem>>) target(%dma_start3A_274 : memref<819200xf32, #tpu.memory_space<vmem_shared>>) offsets(%arg11 : memref<2048xi32, #tpu.memory_space<vmem>>) semaphore(%run_scoped3A : memref<!tpu.dma_semaphore, #tpu.memory_space<semaphore_mem>>)
      %dma_wait3A_275 = arith.constant 0 : i32
      %dma_wait3A_276 = tpu.memref_slice %arg24[%dma_wait3A_275] : memref<819200xf32, #tpu.memory_space<vmem_shared>> -> memref<819200xf32, #tpu.memory_space<vmem_shared>>
      tpu.wait_indirect_dma semaphore(%run_scoped3A : memref<!tpu.dma_semaphore, #tpu.memory_space<semaphore_mem>>) src(%arg18 : memref<2048xf32, #tpu.memory_space<vmem>>) dst(%dma_wait3A_276 : memref<819200xf32, #tpu.memory_space<vmem_shared>>)
      tpu.yield
    }) : () -> ()
    "tpu.region"() ({
      %run_scoped3A = tpu.sem_alloc : memref<!tpu.dma_semaphore, #tpu.memory_space<semaphore_mem>>
      %dma_start3A_273 = arith.constant 0 : i32
      %dma_start3A_274 = tpu.memref_slice %arg24[%dma_start3A_273] : memref<819200xf32, #tpu.memory_space<vmem_shared>> -> memref<819200xf32, #tpu.memory_space<vmem_shared>>
      tpu.enqueue_indirect_dma source(%arg10 : memref<2048xf32, #tpu.memory_space<vmem>>) target(%dma_start3A_274 : memref<819200xf32, #tpu.memory_space<vmem_shared>>) offsets(%arg11 : memref<2048xi32, #tpu.memory_space<vmem>>) semaphore(%run_scoped3A : memref<!tpu.dma_semaphore, #tpu.memory_space<semaphore_mem>>) {add = true}
      %dma_wait3A_275 = arith.constant 0 : i32
      %dma_wait3A_276 = tpu.memref_slice %arg24[%dma_wait3A_275] : memref<819200xf32, #tpu.memory_space<vmem_shared>> -> memref<819200xf32, #tpu.memory_space<vmem_shared>>
      tpu.wait_indirect_dma semaphore(%run_scoped3A : memref<!tpu.dma_semaphore, #tpu.memory_space<semaphore_mem>>) src(%arg10 : memref<2048xf32, #tpu.memory_space<vmem>>) dst(%dma_wait3A_276 : memref<819200xf32, #tpu.memory_space<vmem_shared>>)
      tpu.yield
    }) : () -> ()
    "tpu.region"() ({
      %run_scoped3A = tpu.sem_alloc : memref<!tpu.dma_semaphore, #tpu.memory_space<semaphore_mem>>
      %dma_start3A_273 = arith.constant 0 : i32
      %dma_start3A_274 = tpu.memref_slice %arg24[%dma_start3A_273] : memref<819200xf32, #tpu.memory_space<vmem_shared>> -> memref<819200xf32, #tpu.memory_space<vmem_shared>>
      tpu.enqueue_indirect_dma source(%dma_start3A_274 : memref<819200xf32, #tpu.memory_space<vmem_shared>>) target(%arg15 : memref<2048xf32, #tpu.memory_space<vmem>>) offsets(%arg11 : memref<2048xi32, #tpu.memory_space<vmem>>) semaphore(%run_scoped3A : memref<!tpu.dma_semaphore, #tpu.memory_space<semaphore_mem>>)
      %dma_wait3A_275 = arith.constant 0 : i32
      %dma_wait3A_276 = tpu.memref_slice %arg24[%dma_wait3A_275] : memref<819200xf32, #tpu.memory_space<vmem_shared>> -> memref<819200xf32, #tpu.memory_space<vmem_shared>>
      tpu.wait_indirect_dma semaphore(%run_scoped3A : memref<!tpu.dma_semaphore, #tpu.memory_space<semaphore_mem>>) src(%dma_wait3A_276 : memref<819200xf32, #tpu.memory_space<vmem_shared>>) dst(%arg15 : memref<2048xf32, #tpu.memory_space<vmem>>)
      tpu.yield
    }) : () -> ()
    %mul3A_123 = arith.constant 4 : i32
    %mul3A_124 = arith.muli %add3A, %mul3A_123 : i32
    %add3A_125 = arith.constant 1 : i32
    %add3A_126 = arith.addi %mul3A_124, %add3A_125 : i32
    %mul3A_127 = arith.constant 2048 : i32
    %mul3A_128 = arith.muli %add3A_126, %mul3A_127 : i32
    %multiple_of3A_129 = tpu.assume_multiple %mul3A_128, 2048 : i32
    %dma_start3A_130 = tpu.memref_slice %arg5[%multiple_of3A_129] : memref<262144xf32, #tpu.memory_space<hbm>> -> memref<2048xf32, #tpu.memory_space<hbm>>
    %dma_start3A_131 = tpu.memref_slice %arg5[%multiple_of3A_129] : memref<262144xf32, #tpu.memory_space<hbm>> -> memref<2048xf32, #tpu.memory_space<hbm>>
    tpu.enqueue_dma source(%arg15 : memref<2048xf32, #tpu.memory_space<vmem>>) target(%dma_start3A_131 : memref<2048xf32, #tpu.memory_space<hbm>>) target_semaphore(%arg23 : memref<!tpu.dma_semaphore, #tpu.memory_space<semaphore_mem>>)
    %dma_wait3A_132 = arith.constant 0 : i32
    %dma_wait3A_133 = tpu.memref_slice %arg2[%add3A_79, %dma_wait3A_132] : memref<128x50000xf32, #tpu.memory_space<hbm>> -> memref<1x50000xf32, #tpu.memory_space<hbm>>
    %dma_wait3A_134 = tpu.memref_squeeze %dma_wait3A_133 : memref<1x50000xf32, #tpu.memory_space<hbm>> -> memref<50000xf32, #tpu.memory_space<hbm>>
    %dma_wait3A_135 = arith.constant 0 : i32
    %dma_wait3A_136 = tpu.memref_slice %arg2[%add3A_79, %dma_wait3A_135] : memref<128x50000xf32, #tpu.memory_space<hbm>> -> memref<1x50000xf32, #tpu.memory_space<hbm>>
    %dma_wait3A_137 = tpu.memref_squeeze %dma_wait3A_136 : memref<1x50000xf32, #tpu.memory_space<hbm>> -> memref<50000xf32, #tpu.memory_space<hbm>>
    tpu.wait_dma2 semaphore(%arg21 : memref<!tpu.dma_semaphore, #tpu.memory_space<semaphore_mem>>) src(%dma_wait3A_137 : memref<50000xf32, #tpu.memory_space<hbm>>) dst(%arg13 : memref<50000xf32, #tpu.memory_space<vmem>>)
    "tpu.region"() ({
      %run_scoped3A = tpu.sem_alloc : memref<!tpu.dma_semaphore, #tpu.memory_space<semaphore_mem>>
      %dma_start3A_273 = tpu.memref_slice %arg24[%mul3A_2] : memref<819200xf32, #tpu.memory_space<vmem_shared>> -> memref<50000xf32, #tpu.memory_space<vmem_shared>>
      %dma_start3A_274 = tpu.memref_slice %arg24[%mul3A_2] : memref<819200xf32, #tpu.memory_space<vmem_shared>> -> memref<50000xf32, #tpu.memory_space<vmem_shared>>
      tpu.enqueue_dma source(%arg13 : memref<50000xf32, #tpu.memory_space<vmem>>) target(%dma_start3A_274 : memref<50000xf32, #tpu.memory_space<vmem_shared>>) target_semaphore(%run_scoped3A : memref<!tpu.dma_semaphore, #tpu.memory_space<semaphore_mem>>)
      %dma_wait3A_275 = tpu.memref_slice %arg24[%mul3A_2] : memref<819200xf32, #tpu.memory_space<vmem_shared>> -> memref<50000xf32, #tpu.memory_space<vmem_shared>>
      %dma_wait3A_276 = tpu.memref_slice %arg24[%mul3A_2] : memref<819200xf32, #tpu.memory_space<vmem_shared>> -> memref<50000xf32, #tpu.memory_space<vmem_shared>>
      tpu.wait_dma2 semaphore(%run_scoped3A : memref<!tpu.dma_semaphore, #tpu.memory_space<semaphore_mem>>) src(%arg13 : memref<50000xf32, #tpu.memory_space<vmem>>) dst(%dma_wait3A_276 : memref<50000xf32, #tpu.memory_space<vmem_shared>>)
      tpu.yield
    }) : () -> ()
    %mul3A_138 = arith.constant 4 : i32
    %mul3A_139 = arith.muli %add3A, %mul3A_138 : i32
    %add3A_140 = arith.constant 1 : i32
    %add3A_141 = arith.addi %mul3A_139, %add3A_140 : i32
    %add3A_142 = arith.constant 1 : i32
    %add3A_143 = arith.addi %add3A_141, %add3A_142 : i32
    %dma_start3A_144 = arith.constant 0 : i32
    %dma_start3A_145 = tpu.memref_slice %arg2[%add3A_143, %dma_start3A_144] : memref<128x50000xf32, #tpu.memory_space<hbm>> -> memref<1x50000xf32, #tpu.memory_space<hbm>>
    %dma_start3A_146 = tpu.memref_squeeze %dma_start3A_145 : memref<1x50000xf32, #tpu.memory_space<hbm>> -> memref<50000xf32, #tpu.memory_space<hbm>>
    %dma_start3A_147 = arith.constant 0 : i32
    %dma_start3A_148 = tpu.memref_slice %arg2[%add3A_143, %dma_start3A_147] : memref<128x50000xf32, #tpu.memory_space<hbm>> -> memref<1x50000xf32, #tpu.memory_space<hbm>>
    %dma_start3A_149 = tpu.memref_squeeze %dma_start3A_148 : memref<1x50000xf32, #tpu.memory_space<hbm>> -> memref<50000xf32, #tpu.memory_space<hbm>>
    tpu.enqueue_dma source(%dma_start3A_149 : memref<50000xf32, #tpu.memory_space<hbm>>) target(%arg13 : memref<50000xf32, #tpu.memory_space<vmem>>) target_semaphore(%arg21 : memref<!tpu.dma_semaphore, #tpu.memory_space<semaphore_mem>>)
    "tpu.region"() ({
      %run_scoped3A = tpu.sem_alloc : memref<!tpu.dma_semaphore, #tpu.memory_space<semaphore_mem>>
      %dma_start3A_273 = arith.constant 0 : i32
      %dma_start3A_274 = tpu.memref_slice %arg24[%dma_start3A_273] : memref<819200xf32, #tpu.memory_space<vmem_shared>> -> memref<819200xf32, #tpu.memory_space<vmem_shared>>
      tpu.enqueue_indirect_dma source(%dma_start3A_274 : memref<819200xf32, #tpu.memory_space<vmem_shared>>) target(%arg17 : memref<2048xf32, #tpu.memory_space<vmem>>) offsets(%arg12 : memref<2048xi32, #tpu.memory_space<vmem>>) semaphore(%run_scoped3A : memref<!tpu.dma_semaphore, #tpu.memory_space<semaphore_mem>>)
      %dma_wait3A_275 = arith.constant 0 : i32
      %dma_wait3A_276 = tpu.memref_slice %arg24[%dma_wait3A_275] : memref<819200xf32, #tpu.memory_space<vmem_shared>> -> memref<819200xf32, #tpu.memory_space<vmem_shared>>
      tpu.wait_indirect_dma semaphore(%run_scoped3A : memref<!tpu.dma_semaphore, #tpu.memory_space<semaphore_mem>>) src(%dma_wait3A_276 : memref<819200xf32, #tpu.memory_space<vmem_shared>>) dst(%arg17 : memref<2048xf32, #tpu.memory_space<vmem>>)
      tpu.yield
    }) : () -> ()
    %mul3A_150 = arith.constant 4 : i32
    %mul3A_151 = arith.muli %add3A, %mul3A_150 : i32
    %add3A_152 = arith.constant 1 : i32
    %add3A_153 = arith.addi %mul3A_151, %add3A_152 : i32
    %mul3A_154 = arith.constant 2048 : i32
    %mul3A_155 = arith.muli %add3A_153, %mul3A_154 : i32
    %multiple_of3A_156 = tpu.assume_multiple %mul3A_155, 2048 : i32
    %dma_start3A_157 = tpu.memref_slice %arg6[%multiple_of3A_156] : memref<262144xf32, #tpu.memory_space<hbm>> -> memref<2048xf32, #tpu.memory_space<hbm>>
    %dma_start3A_158 = tpu.memref_slice %arg6[%multiple_of3A_156] : memref<262144xf32, #tpu.memory_space<hbm>> -> memref<2048xf32, #tpu.memory_space<hbm>>
    tpu.enqueue_dma source(%arg17 : memref<2048xf32, #tpu.memory_space<vmem>>) target(%dma_start3A_158 : memref<2048xf32, #tpu.memory_space<hbm>>) target_semaphore(%arg23 : memref<!tpu.dma_semaphore, #tpu.memory_space<semaphore_mem>>)
    %dma_wait3A_159 = tpu.memref_slice %arg4[%multiple_of3A_105] : memref<262144xi32, #tpu.memory_space<hbm>> -> memref<2048xi32, #tpu.memory_space<hbm>>
    %dma_wait3A_160 = tpu.memref_slice %arg4[%multiple_of3A_105] : memref<262144xi32, #tpu.memory_space<hbm>> -> memref<2048xi32, #tpu.memory_space<hbm>>
    tpu.wait_dma2 semaphore(%arg19 : memref<!tpu.dma_semaphore, #tpu.memory_space<semaphore_mem>>) src(%dma_wait3A_160 : memref<2048xi32, #tpu.memory_space<hbm>>) dst(%arg7 : memref<2048xi32, #tpu.memory_space<vmem>>)
    %dma_wait3A_161 = tpu.memref_slice %arg3[%multiple_of3A_114] : memref<262144xf32, #tpu.memory_space<hbm>> -> memref<2048xf32, #tpu.memory_space<hbm>>
    %dma_wait3A_162 = tpu.memref_slice %arg3[%multiple_of3A_114] : memref<262144xf32, #tpu.memory_space<hbm>> -> memref<2048xf32, #tpu.memory_space<hbm>>
    tpu.wait_dma2 semaphore(%arg19 : memref<!tpu.dma_semaphore, #tpu.memory_space<semaphore_mem>>) src(%dma_wait3A_162 : memref<2048xf32, #tpu.memory_space<hbm>>) dst(%arg9 : memref<2048xf32, #tpu.memory_space<vmem>>)
    %mul3A_163 = arith.constant 4 : i32
    %mul3A_164 = arith.muli %add3A, %mul3A_163 : i32
    %add3A_165 = arith.constant 3 : i32
    %add3A_166 = arith.addi %mul3A_164, %add3A_165 : i32
    %mul3A_167 = arith.constant 2048 : i32
    %mul3A_168 = arith.muli %add3A_166, %mul3A_167 : i32
    %multiple_of3A_169 = tpu.assume_multiple %mul3A_168, 2048 : i32
    %dma_start3A_170 = tpu.memref_slice %arg4[%multiple_of3A_169] : memref<262144xi32, #tpu.memory_space<hbm>> -> memref<2048xi32, #tpu.memory_space<hbm>>
    %dma_start3A_171 = tpu.memref_slice %arg4[%multiple_of3A_169] : memref<262144xi32, #tpu.memory_space<hbm>> -> memref<2048xi32, #tpu.memory_space<hbm>>
    tpu.enqueue_dma source(%dma_start3A_171 : memref<2048xi32, #tpu.memory_space<hbm>>) target(%arg8 : memref<2048xi32, #tpu.memory_space<vmem>>) target_semaphore(%arg20 : memref<!tpu.dma_semaphore, #tpu.memory_space<semaphore_mem>>)
    %mul3A_172 = arith.constant 4 : i32
    %mul3A_173 = arith.muli %add3A, %mul3A_172 : i32
    %add3A_174 = arith.constant 3 : i32
    %add3A_175 = arith.addi %mul3A_173, %add3A_174 : i32
    %mul3A_176 = arith.constant 2048 : i32
    %mul3A_177 = arith.muli %add3A_175, %mul3A_176 : i32
    %multiple_of3A_178 = tpu.assume_multiple %mul3A_177, 2048 : i32
    %dma_start3A_179 = tpu.memref_slice %arg3[%multiple_of3A_178] : memref<262144xf32, #tpu.memory_space<hbm>> -> memref<2048xf32, #tpu.memory_space<hbm>>
    %dma_start3A_180 = tpu.memref_slice %arg3[%multiple_of3A_178] : memref<262144xf32, #tpu.memory_space<hbm>> -> memref<2048xf32, #tpu.memory_space<hbm>>
    tpu.enqueue_dma source(%dma_start3A_180 : memref<2048xf32, #tpu.memory_space<hbm>>) target(%arg10 : memref<2048xf32, #tpu.memory_space<vmem>>) target_semaphore(%arg20 : memref<!tpu.dma_semaphore, #tpu.memory_space<semaphore_mem>>)
    %dma_wait3A_181 = tpu.memref_slice %arg5[%multiple_of3A_65] : memref<262144xf32, #tpu.memory_space<hbm>> -> memref<2048xf32, #tpu.memory_space<hbm>>
    %dma_wait3A_182 = tpu.memref_slice %arg5[%multiple_of3A_65] : memref<262144xf32, #tpu.memory_space<hbm>> -> memref<2048xf32, #tpu.memory_space<hbm>>
    tpu.wait_dma2 semaphore(%arg22 : memref<!tpu.dma_semaphore, #tpu.memory_space<semaphore_mem>>) src(%arg14 : memref<2048xf32, #tpu.memory_space<vmem>>) dst(%dma_wait3A_182 : memref<2048xf32, #tpu.memory_space<hbm>>)
    %dma_wait3A_183 = tpu.memref_slice %arg6[%multiple_of3A_92] : memref<262144xf32, #tpu.memory_space<hbm>> -> memref<2048xf32, #tpu.memory_space<hbm>>
    %dma_wait3A_184 = tpu.memref_slice %arg6[%multiple_of3A_92] : memref<262144xf32, #tpu.memory_space<hbm>> -> memref<2048xf32, #tpu.memory_space<hbm>>
    tpu.wait_dma2 semaphore(%arg22 : memref<!tpu.dma_semaphore, #tpu.memory_space<semaphore_mem>>) src(%arg16 : memref<2048xf32, #tpu.memory_space<vmem>>) dst(%dma_wait3A_184 : memref<2048xf32, #tpu.memory_space<hbm>>)
    %scan3A_185 = arith.constant 0 : i32
    %scan3A_186 = arith.constant 0 : i32
    %scan3A_187 = arith.constant 128 : i32
    %scan3A_188 = arith.addi %scan3A_186, %scan3A_187 : i32
    %scan3A_189 = arith.constant 1 : i32
    scf.for %scan3A_273 = %scan3A_186 to %scan3A_188 step %scan3A_189  : i32 {
      %mul3A_274 = arith.constant 16 : i32
      %mul3A_275 = arith.muli %scan3A_273, %mul3A_274 : i32
      %get3A = arith.index_cast %mul3A_275 : i32 to index
      %get3A_276 = tpu.vector_load %arg7[%get3A] {strides = array<i32>} : memref<2048xi32, #tpu.memory_space<vmem>>, vector<16xi32>,
      %get3A_277 = vector.shape_cast %get3A_276 : vector<16xi32> to vector<16xi32>
      %add3A_278 = vector.broadcast %mul3A_2 : i32 to vector<16xi32>
      %add3A_279 = arith.addi %get3A_277, %add3A_278 : vector<16xi32>
      %swap3A = arith.index_cast %mul3A_275 : i32 to index
      %swap3A_280 = tpu.vector_load %arg11[%swap3A] {strides = array<i32>} : memref<2048xi32, #tpu.memory_space<vmem>>, vector<16xi32>,
      %swap3A_281 = vector.shape_cast %swap3A_280 : vector<16xi32> to vector<16xi32>
      %swap3A_282 = vector.shape_cast %add3A_279 : vector<16xi32> to vector<16xi32>
      tpu.vector_store %arg11[%swap3A], %swap3A_282 {strides = array<i32>} : memref<2048xi32, #tpu.memory_space<vmem>>, vector<16xi32>,
      %min3A = arith.constant 49999 : i32
      %min3A_283 = vector.broadcast %min3A : i32 to vector<16xi32>
      %min3A_284 = arith.minsi %get3A_277, %min3A_283 : vector<16xi32>
      %add3A_285 = vector.broadcast %mul3A_2 : i32 to vector<16xi32>
      %add3A_286 = arith.addi %min3A_284, %add3A_285 : vector<16xi32>
      %swap3A_287 = arith.index_cast %mul3A_275 : i32 to index
      %swap3A_288 = tpu.vector_load %arg12[%swap3A_287] {strides = array<i32>} : memref<2048xi32, #tpu.memory_space<vmem>>, vector<16xi32>,
      %swap3A_289 = vector.shape_cast %swap3A_288 : vector<16xi32> to vector<16xi32>
      %swap3A_290 = vector.shape_cast %add3A_286 : vector<16xi32> to vector<16xi32>
      tpu.vector_store %arg12[%swap3A_287], %swap3A_290 {strides = array<i32>} : memref<2048xi32, #tpu.memory_space<vmem>>, vector<16xi32>,
    }
    %scan3A_190 = arith.constant 128 : i32
    "tpu.region"() ({
      %run_scoped3A = tpu.sem_alloc : memref<!tpu.dma_semaphore, #tpu.memory_space<semaphore_mem>>
      %dma_start3A_273 = arith.constant 0 : i32
      %dma_start3A_274 = tpu.memref_slice %arg24[%dma_start3A_273] : memref<819200xf32, #tpu.memory_space<vmem_shared>> -> memref<819200xf32, #tpu.memory_space<vmem_shared>>
      tpu.enqueue_indirect_dma source(%arg18 : memref<2048xf32, #tpu.memory_space<vmem>>) target(%dma_start3A_274 : memref<819200xf32, #tpu.memory_space<vmem_shared>>) offsets(%arg11 : memref<2048xi32, #tpu.memory_space<vmem>>) semaphore(%run_scoped3A : memref<!tpu.dma_semaphore, #tpu.memory_space<semaphore_mem>>)
      %dma_wait3A_275 = arith.constant 0 : i32
      %dma_wait3A_276 = tpu.memref_slice %arg24[%dma_wait3A_275] : memref<819200xf32, #tpu.memory_space<vmem_shared>> -> memref<819200xf32, #tpu.memory_space<vmem_shared>>
      tpu.wait_indirect_dma semaphore(%run_scoped3A : memref<!tpu.dma_semaphore, #tpu.memory_space<semaphore_mem>>) src(%arg18 : memref<2048xf32, #tpu.memory_space<vmem>>) dst(%dma_wait3A_276 : memref<819200xf32, #tpu.memory_space<vmem_shared>>)
      tpu.yield
    }) : () -> ()
    "tpu.region"() ({
      %run_scoped3A = tpu.sem_alloc : memref<!tpu.dma_semaphore, #tpu.memory_space<semaphore_mem>>
      %dma_start3A_273 = arith.constant 0 : i32
      %dma_start3A_274 = tpu.memref_slice %arg24[%dma_start3A_273] : memref<819200xf32, #tpu.memory_space<vmem_shared>> -> memref<819200xf32, #tpu.memory_space<vmem_shared>>
      tpu.enqueue_indirect_dma source(%arg9 : memref<2048xf32, #tpu.memory_space<vmem>>) target(%dma_start3A_274 : memref<819200xf32, #tpu.memory_space<vmem_shared>>) offsets(%arg11 : memref<2048xi32, #tpu.memory_space<vmem>>) semaphore(%run_scoped3A : memref<!tpu.dma_semaphore, #tpu.memory_space<semaphore_mem>>) {add = true}
      %dma_wait3A_275 = arith.constant 0 : i32
      %dma_wait3A_276 = tpu.memref_slice %arg24[%dma_wait3A_275] : memref<819200xf32, #tpu.memory_space<vmem_shared>> -> memref<819200xf32, #tpu.memory_space<vmem_shared>>
      tpu.wait_indirect_dma semaphore(%run_scoped3A : memref<!tpu.dma_semaphore, #tpu.memory_space<semaphore_mem>>) src(%arg9 : memref<2048xf32, #tpu.memory_space<vmem>>) dst(%dma_wait3A_276 : memref<819200xf32, #tpu.memory_space<vmem_shared>>)
      tpu.yield
    }) : () -> ()
    "tpu.region"() ({
      %run_scoped3A = tpu.sem_alloc : memref<!tpu.dma_semaphore, #tpu.memory_space<semaphore_mem>>
      %dma_start3A_273 = arith.constant 0 : i32
      %dma_start3A_274 = tpu.memref_slice %arg24[%dma_start3A_273] : memref<819200xf32, #tpu.memory_space<vmem_shared>> -> memref<819200xf32, #tpu.memory_space<vmem_shared>>
      tpu.enqueue_indirect_dma source(%dma_start3A_274 : memref<819200xf32, #tpu.memory_space<vmem_shared>>) target(%arg14 : memref<2048xf32, #tpu.memory_space<vmem>>) offsets(%arg11 : memref<2048xi32, #tpu.memory_space<vmem>>) semaphore(%run_scoped3A : memref<!tpu.dma_semaphore, #tpu.memory_space<semaphore_mem>>)
      %dma_wait3A_275 = arith.constant 0 : i32
      %dma_wait3A_276 = tpu.memref_slice %arg24[%dma_wait3A_275] : memref<819200xf32, #tpu.memory_space<vmem_shared>> -> memref<819200xf32, #tpu.memory_space<vmem_shared>>
      tpu.wait_indirect_dma semaphore(%run_scoped3A : memref<!tpu.dma_semaphore, #tpu.memory_space<semaphore_mem>>) src(%dma_wait3A_276 : memref<819200xf32, #tpu.memory_space<vmem_shared>>) dst(%arg14 : memref<2048xf32, #tpu.memory_space<vmem>>)
      tpu.yield
    }) : () -> ()
    %mul3A_191 = arith.constant 4 : i32
    %mul3A_192 = arith.muli %add3A, %mul3A_191 : i32
    %add3A_193 = arith.constant 2 : i32
    %add3A_194 = arith.addi %mul3A_192, %add3A_193 : i32
    %mul3A_195 = arith.constant 2048 : i32
    %mul3A_196 = arith.muli %add3A_194, %mul3A_195 : i32
    %multiple_of3A_197 = tpu.assume_multiple %mul3A_196, 2048 : i32
    %dma_start3A_198 = tpu.memref_slice %arg5[%multiple_of3A_197] : memref<262144xf32, #tpu.memory_space<hbm>> -> memref<2048xf32, #tpu.memory_space<hbm>>
    %dma_start3A_199 = tpu.memref_slice %arg5[%multiple_of3A_197] : memref<262144xf32, #tpu.memory_space<hbm>> -> memref<2048xf32, #tpu.memory_space<hbm>>
    tpu.enqueue_dma source(%arg14 : memref<2048xf32, #tpu.memory_space<vmem>>) target(%dma_start3A_199 : memref<2048xf32, #tpu.memory_space<hbm>>) target_semaphore(%arg22 : memref<!tpu.dma_semaphore, #tpu.memory_space<semaphore_mem>>)
    %dma_wait3A_200 = arith.constant 0 : i32
    %dma_wait3A_201 = tpu.memref_slice %arg2[%add3A_143, %dma_wait3A_200] : memref<128x50000xf32, #tpu.memory_space<hbm>> -> memref<1x50000xf32, #tpu.memory_space<hbm>>
    %dma_wait3A_202 = tpu.memref_squeeze %dma_wait3A_201 : memref<1x50000xf32, #tpu.memory_space<hbm>> -> memref<50000xf32, #tpu.memory_space<hbm>>
    %dma_wait3A_203 = arith.constant 0 : i32
    %dma_wait3A_204 = tpu.memref_slice %arg2[%add3A_143, %dma_wait3A_203] : memref<128x50000xf32, #tpu.memory_space<hbm>> -> memref<1x50000xf32, #tpu.memory_space<hbm>>
    %dma_wait3A_205 = tpu.memref_squeeze %dma_wait3A_204 : memref<1x50000xf32, #tpu.memory_space<hbm>> -> memref<50000xf32, #tpu.memory_space<hbm>>
    tpu.wait_dma2 semaphore(%arg21 : memref<!tpu.dma_semaphore, #tpu.memory_space<semaphore_mem>>) src(%dma_wait3A_205 : memref<50000xf32, #tpu.memory_space<hbm>>) dst(%arg13 : memref<50000xf32, #tpu.memory_space<vmem>>)
    "tpu.region"() ({
      %run_scoped3A = tpu.sem_alloc : memref<!tpu.dma_semaphore, #tpu.memory_space<semaphore_mem>>
      %dma_start3A_273 = tpu.memref_slice %arg24[%mul3A_2] : memref<819200xf32, #tpu.memory_space<vmem_shared>> -> memref<50000xf32, #tpu.memory_space<vmem_shared>>
      %dma_start3A_274 = tpu.memref_slice %arg24[%mul3A_2] : memref<819200xf32, #tpu.memory_space<vmem_shared>> -> memref<50000xf32, #tpu.memory_space<vmem_shared>>
      tpu.enqueue_dma source(%arg13 : memref<50000xf32, #tpu.memory_space<vmem>>) target(%dma_start3A_274 : memref<50000xf32, #tpu.memory_space<vmem_shared>>) target_semaphore(%run_scoped3A : memref<!tpu.dma_semaphore, #tpu.memory_space<semaphore_mem>>)
      %dma_wait3A_275 = tpu.memref_slice %arg24[%mul3A_2] : memref<819200xf32, #tpu.memory_space<vmem_shared>> -> memref<50000xf32, #tpu.memory_space<vmem_shared>>
      %dma_wait3A_276 = tpu.memref_slice %arg24[%mul3A_2] : memref<819200xf32, #tpu.memory_space<vmem_shared>> -> memref<50000xf32, #tpu.memory_space<vmem_shared>>
      tpu.wait_dma2 semaphore(%run_scoped3A : memref<!tpu.dma_semaphore, #tpu.memory_space<semaphore_mem>>) src(%arg13 : memref<50000xf32, #tpu.memory_space<vmem>>) dst(%dma_wait3A_276 : memref<50000xf32, #tpu.memory_space<vmem_shared>>)
      tpu.yield
    }) : () -> ()
    %mul3A_206 = arith.constant 4 : i32
    %mul3A_207 = arith.muli %add3A, %mul3A_206 : i32
    %add3A_208 = arith.constant 2 : i32
    %add3A_209 = arith.addi %mul3A_207, %add3A_208 : i32
    %add3A_210 = arith.constant 1 : i32
    %add3A_211 = arith.addi %add3A_209, %add3A_210 : i32
    %dma_start3A_212 = arith.constant 0 : i32
    %dma_start3A_213 = tpu.memref_slice %arg2[%add3A_211, %dma_start3A_212] : memref<128x50000xf32, #tpu.memory_space<hbm>> -> memref<1x50000xf32, #tpu.memory_space<hbm>>
    %dma_start3A_214 = tpu.memref_squeeze %dma_start3A_213 : memref<1x50000xf32, #tpu.memory_space<hbm>> -> memref<50000xf32, #tpu.memory_space<hbm>>
    %dma_start3A_215 = arith.constant 0 : i32
    %dma_start3A_216 = tpu.memref_slice %arg2[%add3A_211, %dma_start3A_215] : memref<128x50000xf32, #tpu.memory_space<hbm>> -> memref<1x50000xf32, #tpu.memory_space<hbm>>
    %dma_start3A_217 = tpu.memref_squeeze %dma_start3A_216 : memref<1x50000xf32, #tpu.memory_space<hbm>> -> memref<50000xf32, #tpu.memory_space<hbm>>
    tpu.enqueue_dma source(%dma_start3A_217 : memref<50000xf32, #tpu.memory_space<hbm>>) target(%arg13 : memref<50000xf32, #tpu.memory_space<vmem>>) target_semaphore(%arg21 : memref<!tpu.dma_semaphore, #tpu.memory_space<semaphore_mem>>)
    "tpu.region"() ({
      %run_scoped3A = tpu.sem_alloc : memref<!tpu.dma_semaphore, #tpu.memory_space<semaphore_mem>>
      %dma_start3A_273 = arith.constant 0 : i32
      %dma_start3A_274 = tpu.memref_slice %arg24[%dma_start3A_273] : memref<819200xf32, #tpu.memory_space<vmem_shared>> -> memref<819200xf32, #tpu.memory_space<vmem_shared>>
      tpu.enqueue_indirect_dma source(%dma_start3A_274 : memref<819200xf32, #tpu.memory_space<vmem_shared>>) target(%arg16 : memref<2048xf32, #tpu.memory_space<vmem>>) offsets(%arg12 : memref<2048xi32, #tpu.memory_space<vmem>>) semaphore(%run_scoped3A : memref<!tpu.dma_semaphore, #tpu.memory_space<semaphore_mem>>)
      %dma_wait3A_275 = arith.constant 0 : i32
      %dma_wait3A_276 = tpu.memref_slice %arg24[%dma_wait3A_275] : memref<819200xf32, #tpu.memory_space<vmem_shared>> -> memref<819200xf32, #tpu.memory_space<vmem_shared>>
      tpu.wait_indirect_dma semaphore(%run_scoped3A : memref<!tpu.dma_semaphore, #tpu.memory_space<semaphore_mem>>) src(%dma_wait3A_276 : memref<819200xf32, #tpu.memory_space<vmem_shared>>) dst(%arg16 : memref<2048xf32, #tpu.memory_space<vmem>>)
      tpu.yield
    }) : () -> ()
    %mul3A_218 = arith.constant 4 : i32
    %mul3A_219 = arith.muli %add3A, %mul3A_218 : i32
    %add3A_220 = arith.constant 2 : i32
    %add3A_221 = arith.addi %mul3A_219, %add3A_220 : i32
    %mul3A_222 = arith.constant 2048 : i32
    %mul3A_223 = arith.muli %add3A_221, %mul3A_222 : i32
    %multiple_of3A_224 = tpu.assume_multiple %mul3A_223, 2048 : i32
    %dma_start3A_225 = tpu.memref_slice %arg6[%multiple_of3A_224] : memref<262144xf32, #tpu.memory_space<hbm>> -> memref<2048xf32, #tpu.memory_space<hbm>>
    %dma_start3A_226 = tpu.memref_slice %arg6[%multiple_of3A_224] : memref<262144xf32, #tpu.memory_space<hbm>> -> memref<2048xf32, #tpu.memory_space<hbm>>
    tpu.enqueue_dma source(%arg16 : memref<2048xf32, #tpu.memory_space<vmem>>) target(%dma_start3A_226 : memref<2048xf32, #tpu.memory_space<hbm>>) target_semaphore(%arg22 : memref<!tpu.dma_semaphore, #tpu.memory_space<semaphore_mem>>)
    %dma_wait3A_227 = tpu.memref_slice %arg4[%multiple_of3A_169] : memref<262144xi32, #tpu.memory_space<hbm>> -> memref<2048xi32, #tpu.memory_space<hbm>>
    %dma_wait3A_228 = tpu.memref_slice %arg4[%multiple_of3A_169] : memref<262144xi32, #tpu.memory_space<hbm>> -> memref<2048xi32, #tpu.memory_space<hbm>>
    tpu.wait_dma2 semaphore(%arg20 : memref<!tpu.dma_semaphore, #tpu.memory_space<semaphore_mem>>) src(%dma_wait3A_228 : memref<2048xi32, #tpu.memory_space<hbm>>) dst(%arg8 : memref<2048xi32, #tpu.memory_space<vmem>>)
    %dma_wait3A_229 = tpu.memref_slice %arg3[%multiple_of3A_178] : memref<262144xf32, #tpu.memory_space<hbm>> -> memref<2048xf32, #tpu.memory_space<hbm>>
    %dma_wait3A_230 = tpu.memref_slice %arg3[%multiple_of3A_178] : memref<262144xf32, #tpu.memory_space<hbm>> -> memref<2048xf32, #tpu.memory_space<hbm>>
    tpu.wait_dma2 semaphore(%arg20 : memref<!tpu.dma_semaphore, #tpu.memory_space<semaphore_mem>>) src(%dma_wait3A_230 : memref<2048xf32, #tpu.memory_space<hbm>>) dst(%arg10 : memref<2048xf32, #tpu.memory_space<vmem>>)
    %dma_wait3A_231 = tpu.memref_slice %arg5[%multiple_of3A_129] : memref<262144xf32, #tpu.memory_space<hbm>> -> memref<2048xf32, #tpu.memory_space<hbm>>
    %dma_wait3A_232 = tpu.memref_slice %arg5[%multiple_of3A_129] : memref<262144xf32, #tpu.memory_space<hbm>> -> memref<2048xf32, #tpu.memory_space<hbm>>
    tpu.wait_dma2 semaphore(%arg23 : memref<!tpu.dma_semaphore, #tpu.memory_space<semaphore_mem>>) src(%arg15 : memref<2048xf32, #tpu.memory_space<vmem>>) dst(%dma_wait3A_232 : memref<2048xf32, #tpu.memory_space<hbm>>)
    %dma_wait3A_233 = tpu.memref_slice %arg6[%multiple_of3A_156] : memref<262144xf32, #tpu.memory_space<hbm>> -> memref<2048xf32, #tpu.memory_space<hbm>>
    %dma_wait3A_234 = tpu.memref_slice %arg6[%multiple_of3A_156] : memref<262144xf32, #tpu.memory_space<hbm>> -> memref<2048xf32, #tpu.memory_space<hbm>>
    tpu.wait_dma2 semaphore(%arg23 : memref<!tpu.dma_semaphore, #tpu.memory_space<semaphore_mem>>) src(%arg17 : memref<2048xf32, #tpu.memory_space<vmem>>) dst(%dma_wait3A_234 : memref<2048xf32, #tpu.memory_space<hbm>>)
    %scan3A_235 = arith.constant 0 : i32
    %scan3A_236 = arith.constant 0 : i32
    %scan3A_237 = arith.constant 128 : i32
    %scan3A_238 = arith.addi %scan3A_236, %scan3A_237 : i32
    %scan3A_239 = arith.constant 1 : i32
    scf.for %scan3A_273 = %scan3A_236 to %scan3A_238 step %scan3A_239  : i32 {
      %mul3A_274 = arith.constant 16 : i32
      %mul3A_275 = arith.muli %scan3A_273, %mul3A_274 : i32
      %get3A = arith.index_cast %mul3A_275 : i32 to index
      %get3A_276 = tpu.vector_load %arg8[%get3A] {strides = array<i32>} : memref<2048xi32, #tpu.memory_space<vmem>>, vector<16xi32>,
      %get3A_277 = vector.shape_cast %get3A_276 : vector<16xi32> to vector<16xi32>
      %add3A_278 = vector.broadcast %mul3A_2 : i32 to vector<16xi32>
      %add3A_279 = arith.addi %get3A_277, %add3A_278 : vector<16xi32>
      %swap3A = arith.index_cast %mul3A_275 : i32 to index
      %swap3A_280 = tpu.vector_load %arg11[%swap3A] {strides = array<i32>} : memref<2048xi32, #tpu.memory_space<vmem>>, vector<16xi32>,
      %swap3A_281 = vector.shape_cast %swap3A_280 : vector<16xi32> to vector<16xi32>
      %swap3A_282 = vector.shape_cast %add3A_279 : vector<16xi32> to vector<16xi32>
      tpu.vector_store %arg11[%swap3A], %swap3A_282 {strides = array<i32>} : memref<2048xi32, #tpu.memory_space<vmem>>, vector<16xi32>,
      %min3A = arith.constant 49999 : i32
      %min3A_283 = vector.broadcast %min3A : i32 to vector<16xi32>
      %min3A_284 = arith.minsi %get3A_277, %min3A_283 : vector<16xi32>
      %add3A_285 = vector.broadcast %mul3A_2 : i32 to vector<16xi32>
      %add3A_286 = arith.addi %min3A_284, %add3A_285 : vector<16xi32>
      %swap3A_287 = arith.index_cast %mul3A_275 : i32 to index
      %swap3A_288 = tpu.vector_load %arg12[%swap3A_287] {strides = array<i32>} : memref<2048xi32, #tpu.memory_space<vmem>>, vector<16xi32>,
      %swap3A_289 = vector.shape_cast %swap3A_288 : vector<16xi32> to vector<16xi32>
      %swap3A_290 = vector.shape_cast %add3A_286 : vector<16xi32> to vector<16xi32>
      tpu.vector_store %arg12[%swap3A_287], %swap3A_290 {strides = array<i32>} : memref<2048xi32, #tpu.memory_space<vmem>>, vector<16xi32>,
    }
    %scan3A_240 = arith.constant 128 : i32
    "tpu.region"() ({
      %run_scoped3A = tpu.sem_alloc : memref<!tpu.dma_semaphore, #tpu.memory_space<semaphore_mem>>
      %dma_start3A_273 = arith.constant 0 : i32
      %dma_start3A_274 = tpu.memref_slice %arg24[%dma_start3A_273] : memref<819200xf32, #tpu.memory_space<vmem_shared>> -> memref<819200xf32, #tpu.memory_space<vmem_shared>>
      tpu.enqueue_indirect_dma source(%arg18 : memref<2048xf32, #tpu.memory_space<vmem>>) target(%dma_start3A_274 : memref<819200xf32, #tpu.memory_space<vmem_shared>>) offsets(%arg11 : memref<2048xi32, #tpu.memory_space<vmem>>) semaphore(%run_scoped3A : memref<!tpu.dma_semaphore, #tpu.memory_space<semaphore_mem>>)
      %dma_wait3A_275 = arith.constant 0 : i32
      %dma_wait3A_276 = tpu.memref_slice %arg24[%dma_wait3A_275] : memref<819200xf32, #tpu.memory_space<vmem_shared>> -> memref<819200xf32, #tpu.memory_space<vmem_shared>>
      tpu.wait_indirect_dma semaphore(%run_scoped3A : memref<!tpu.dma_semaphore, #tpu.memory_space<semaphore_mem>>) src(%arg18 : memref<2048xf32, #tpu.memory_space<vmem>>) dst(%dma_wait3A_276 : memref<819200xf32, #tpu.memory_space<vmem_shared>>)
      tpu.yield
    }) : () -> ()
    "tpu.region"() ({
      %run_scoped3A = tpu.sem_alloc : memref<!tpu.dma_semaphore, #tpu.memory_space<semaphore_mem>>
      %dma_start3A_273 = arith.constant 0 : i32
      %dma_start3A_274 = tpu.memref_slice %arg24[%dma_start3A_273] : memref<819200xf32, #tpu.memory_space<vmem_shared>> -> memref<819200xf32, #tpu.memory_space<vmem_shared>>
      tpu.enqueue_indirect_dma source(%arg10 : memref<2048xf32, #tpu.memory_space<vmem>>) target(%dma_start3A_274 : memref<819200xf32, #tpu.memory_space<vmem_shared>>) offsets(%arg11 : memref<2048xi32, #tpu.memory_space<vmem>>) semaphore(%run_scoped3A : memref<!tpu.dma_semaphore, #tpu.memory_space<semaphore_mem>>) {add = true}
      %dma_wait3A_275 = arith.constant 0 : i32
      %dma_wait3A_276 = tpu.memref_slice %arg24[%dma_wait3A_275] : memref<819200xf32, #tpu.memory_space<vmem_shared>> -> memref<819200xf32, #tpu.memory_space<vmem_shared>>
      tpu.wait_indirect_dma semaphore(%run_scoped3A : memref<!tpu.dma_semaphore, #tpu.memory_space<semaphore_mem>>) src(%arg10 : memref<2048xf32, #tpu.memory_space<vmem>>) dst(%dma_wait3A_276 : memref<819200xf32, #tpu.memory_space<vmem_shared>>)
      tpu.yield
    }) : () -> ()
    "tpu.region"() ({
      %run_scoped3A = tpu.sem_alloc : memref<!tpu.dma_semaphore, #tpu.memory_space<semaphore_mem>>
      %dma_start3A_273 = arith.constant 0 : i32
      %dma_start3A_274 = tpu.memref_slice %arg24[%dma_start3A_273] : memref<819200xf32, #tpu.memory_space<vmem_shared>> -> memref<819200xf32, #tpu.memory_space<vmem_shared>>
      tpu.enqueue_indirect_dma source(%dma_start3A_274 : memref<819200xf32, #tpu.memory_space<vmem_shared>>) target(%arg15 : memref<2048xf32, #tpu.memory_space<vmem>>) offsets(%arg11 : memref<2048xi32, #tpu.memory_space<vmem>>) semaphore(%run_scoped3A : memref<!tpu.dma_semaphore, #tpu.memory_space<semaphore_mem>>)
      %dma_wait3A_275 = arith.constant 0 : i32
      %dma_wait3A_276 = tpu.memref_slice %arg24[%dma_wait3A_275] : memref<819200xf32, #tpu.memory_space<vmem_shared>> -> memref<819200xf32, #tpu.memory_space<vmem_shared>>
      tpu.wait_indirect_dma semaphore(%run_scoped3A : memref<!tpu.dma_semaphore, #tpu.memory_space<semaphore_mem>>) src(%dma_wait3A_276 : memref<819200xf32, #tpu.memory_space<vmem_shared>>) dst(%arg15 : memref<2048xf32, #tpu.memory_space<vmem>>)
      tpu.yield
    }) : () -> ()
    %mul3A_241 = arith.constant 4 : i32
    %mul3A_242 = arith.muli %add3A, %mul3A_241 : i32
    %add3A_243 = arith.constant 3 : i32
    %add3A_244 = arith.addi %mul3A_242, %add3A_243 : i32
    %mul3A_245 = arith.constant 2048 : i32
    %mul3A_246 = arith.muli %add3A_244, %mul3A_245 : i32
    %multiple_of3A_247 = tpu.assume_multiple %mul3A_246, 2048 : i32
    %dma_start3A_248 = tpu.memref_slice %arg5[%multiple_of3A_247] : memref<262144xf32, #tpu.memory_space<hbm>> -> memref<2048xf32, #tpu.memory_space<hbm>>
    %dma_start3A_249 = tpu.memref_slice %arg5[%multiple_of3A_247] : memref<262144xf32, #tpu.memory_space<hbm>> -> memref<2048xf32, #tpu.memory_space<hbm>>
    tpu.enqueue_dma source(%arg15 : memref<2048xf32, #tpu.memory_space<vmem>>) target(%dma_start3A_249 : memref<2048xf32, #tpu.memory_space<hbm>>) target_semaphore(%arg23 : memref<!tpu.dma_semaphore, #tpu.memory_space<semaphore_mem>>)
    %dma_wait3A_250 = arith.constant 0 : i32
    %dma_wait3A_251 = tpu.memref_slice %arg2[%add3A_211, %dma_wait3A_250] : memref<128x50000xf32, #tpu.memory_space<hbm>> -> memref<1x50000xf32, #tpu.memory_space<hbm>>
    %dma_wait3A_252 = tpu.memref_squeeze %dma_wait3A_251 : memref<1x50000xf32, #tpu.memory_space<hbm>> -> memref<50000xf32, #tpu.memory_space<hbm>>
    %dma_wait3A_253 = arith.constant 0 : i32
    %dma_wait3A_254 = tpu.memref_slice %arg2[%add3A_211, %dma_wait3A_253] : memref<128x50000xf32, #tpu.memory_space<hbm>> -> memref<1x50000xf32, #tpu.memory_space<hbm>>
    %dma_wait3A_255 = tpu.memref_squeeze %dma_wait3A_254 : memref<1x50000xf32, #tpu.memory_space<hbm>> -> memref<50000xf32, #tpu.memory_space<hbm>>
    tpu.wait_dma2 semaphore(%arg21 : memref<!tpu.dma_semaphore, #tpu.memory_space<semaphore_mem>>) src(%dma_wait3A_255 : memref<50000xf32, #tpu.memory_space<hbm>>) dst(%arg13 : memref<50000xf32, #tpu.memory_space<vmem>>)
    "tpu.region"() ({
      %run_scoped3A = tpu.sem_alloc : memref<!tpu.dma_semaphore, #tpu.memory_space<semaphore_mem>>
      %dma_start3A_273 = tpu.memref_slice %arg24[%mul3A_2] : memref<819200xf32, #tpu.memory_space<vmem_shared>> -> memref<50000xf32, #tpu.memory_space<vmem_shared>>
      %dma_start3A_274 = tpu.memref_slice %arg24[%mul3A_2] : memref<819200xf32, #tpu.memory_space<vmem_shared>> -> memref<50000xf32, #tpu.memory_space<vmem_shared>>
      tpu.enqueue_dma source(%arg13 : memref<50000xf32, #tpu.memory_space<vmem>>) target(%dma_start3A_274 : memref<50000xf32, #tpu.memory_space<vmem_shared>>) target_semaphore(%run_scoped3A : memref<!tpu.dma_semaphore, #tpu.memory_space<semaphore_mem>>)
      %dma_wait3A_275 = tpu.memref_slice %arg24[%mul3A_2] : memref<819200xf32, #tpu.memory_space<vmem_shared>> -> memref<50000xf32, #tpu.memory_space<vmem_shared>>
      %dma_wait3A_276 = tpu.memref_slice %arg24[%mul3A_2] : memref<819200xf32, #tpu.memory_space<vmem_shared>> -> memref<50000xf32, #tpu.memory_space<vmem_shared>>
      tpu.wait_dma2 semaphore(%run_scoped3A : memref<!tpu.dma_semaphore, #tpu.memory_space<semaphore_mem>>) src(%arg13 : memref<50000xf32, #tpu.memory_space<vmem>>) dst(%dma_wait3A_276 : memref<50000xf32, #tpu.memory_space<vmem_shared>>)
      tpu.yield
    }) : () -> ()
    "tpu.region"() ({
      %run_scoped3A = tpu.sem_alloc : memref<!tpu.dma_semaphore, #tpu.memory_space<semaphore_mem>>
      %dma_start3A_273 = arith.constant 0 : i32
      %dma_start3A_274 = tpu.memref_slice %arg24[%dma_start3A_273] : memref<819200xf32, #tpu.memory_space<vmem_shared>> -> memref<819200xf32, #tpu.memory_space<vmem_shared>>
      tpu.enqueue_indirect_dma source(%dma_start3A_274 : memref<819200xf32, #tpu.memory_space<vmem_shared>>) target(%arg17 : memref<2048xf32, #tpu.memory_space<vmem>>) offsets(%arg12 : memref<2048xi32, #tpu.memory_space<vmem>>) semaphore(%run_scoped3A : memref<!tpu.dma_semaphore, #tpu.memory_space<semaphore_mem>>)
      %dma_wait3A_275 = arith.constant 0 : i32
      %dma_wait3A_276 = tpu.memref_slice %arg24[%dma_wait3A_275] : memref<819200xf32, #tpu.memory_space<vmem_shared>> -> memref<819200xf32, #tpu.memory_space<vmem_shared>>
      tpu.wait_indirect_dma semaphore(%run_scoped3A : memref<!tpu.dma_semaphore, #tpu.memory_space<semaphore_mem>>) src(%dma_wait3A_276 : memref<819200xf32, #tpu.memory_space<vmem_shared>>) dst(%arg17 : memref<2048xf32, #tpu.memory_space<vmem>>)
      tpu.yield
    }) : () -> ()
    %mul3A_256 = arith.constant 4 : i32
    %mul3A_257 = arith.muli %add3A, %mul3A_256 : i32
    %add3A_258 = arith.constant 3 : i32
    %add3A_259 = arith.addi %mul3A_257, %add3A_258 : i32
    %mul3A_260 = arith.constant 2048 : i32
    %mul3A_261 = arith.muli %add3A_259, %mul3A_260 : i32
    %multiple_of3A_262 = tpu.assume_multiple %mul3A_261, 2048 : i32
    %dma_start3A_263 = tpu.memref_slice %arg6[%multiple_of3A_262] : memref<262144xf32, #tpu.memory_space<hbm>> -> memref<2048xf32, #tpu.memory_space<hbm>>
    %dma_start3A_264 = tpu.memref_slice %arg6[%multiple_of3A_262] : memref<262144xf32, #tpu.memory_space<hbm>> -> memref<2048xf32, #tpu.memory_space<hbm>>
    tpu.enqueue_dma source(%arg17 : memref<2048xf32, #tpu.memory_space<vmem>>) target(%dma_start3A_264 : memref<2048xf32, #tpu.memory_space<hbm>>) target_semaphore(%arg23 : memref<!tpu.dma_semaphore, #tpu.memory_space<semaphore_mem>>)
    %dma_wait3A_265 = tpu.memref_slice %arg5[%multiple_of3A_197] : memref<262144xf32, #tpu.memory_space<hbm>> -> memref<2048xf32, #tpu.memory_space<hbm>>
    %dma_wait3A_266 = tpu.memref_slice %arg5[%multiple_of3A_197] : memref<262144xf32, #tpu.memory_space<hbm>> -> memref<2048xf32, #tpu.memory_space<hbm>>
    tpu.wait_dma2 semaphore(%arg22 : memref<!tpu.dma_semaphore, #tpu.memory_space<semaphore_mem>>) src(%arg14 : memref<2048xf32, #tpu.memory_space<vmem>>) dst(%dma_wait3A_266 : memref<2048xf32, #tpu.memory_space<hbm>>)
    %dma_wait3A_267 = tpu.memref_slice %arg6[%multiple_of3A_224] : memref<262144xf32, #tpu.memory_space<hbm>> -> memref<2048xf32, #tpu.memory_space<hbm>>
    %dma_wait3A_268 = tpu.memref_slice %arg6[%multiple_of3A_224] : memref<262144xf32, #tpu.memory_space<hbm>> -> memref<2048xf32, #tpu.memory_space<hbm>>
    tpu.wait_dma2 semaphore(%arg22 : memref<!tpu.dma_semaphore, #tpu.memory_space<semaphore_mem>>) src(%arg16 : memref<2048xf32, #tpu.memory_space<vmem>>) dst(%dma_wait3A_268 : memref<2048xf32, #tpu.memory_space<hbm>>)
    %dma_wait3A_269 = tpu.memref_slice %arg5[%multiple_of3A_247] : memref<262144xf32, #tpu.memory_space<hbm>> -> memref<2048xf32, #tpu.memory_space<hbm>>
    %dma_wait3A_270 = tpu.memref_slice %arg5[%multiple_of3A_247] : memref<262144xf32, #tpu.memory_space<hbm>> -> memref<2048xf32, #tpu.memory_space<hbm>>
    tpu.wait_dma2 semaphore(%arg23 : memref<!tpu.dma_semaphore, #tpu.memory_space<semaphore_mem>>) src(%arg15 : memref<2048xf32, #tpu.memory_space<vmem>>) dst(%dma_wait3A_270 : memref<2048xf32, #tpu.memory_space<hbm>>)
    %dma_wait3A_271 = tpu.memref_slice %arg6[%multiple_of3A_262] : memref<262144xf32, #tpu.memory_space<hbm>> -> memref<2048xf32, #tpu.memory_space<hbm>>
    %dma_wait3A_272 = tpu.memref_slice %arg6[%multiple_of3A_262] : memref<262144xf32, #tpu.memory_space<hbm>> -> memref<2048xf32, #tpu.memory_space<hbm>>
    tpu.wait_dma2 semaphore(%arg23 : memref<!tpu.dma_semaphore, #tpu.memory_space<semaphore_mem>>) src(%arg17 : memref<2048xf32, #tpu.memory_space<vmem>>) dst(%dma_wait3A_272 : memref<2048xf32, #tpu.memory_space<hbm>>)
    return
  }
}

module attributes {stable_mosaic.version = 14 : i64} {
  func.func @_vocab_topk_body(%arg0: i32, %arg1: memref<8x50048xf32, #tpu.memory_space<vmem>>, %arg2: memref<8x128xf32, #tpu.memory_space<vmem>>, %arg3: memref<8x128xi32, #tpu.memory_space<vmem>>) attributes {dimension_semantics = [#tpu.dimension_semantics<arbitrary>], iteration_bounds = array<i64: 16>, scalar_prefetch = 0 : i64, scratch_operands = 0 : i64, tpu.core_type = #tpu.core_type<tc>, window_params = [{transform_indices = @transform_0, window_bounds = array<i64: 8, 50048>}, {transform_indices = @transform_1, window_bounds = array<i64: 8, 128>}, {transform_indices = @transform_2, window_bounds = array<i64: 8, 128>}]} {
    %get3A = arith.constant 0 : index
    %get3A_0 = arith.constant 0 : index
    %get3A_1 = vector.load %arg1[%get3A, %get3A_0] : memref<8x50048xf32, #tpu.memory_space<vmem>>, vector<8x50048xf32>
    %reshape3A = vector.shape_cast %get3A_1 : vector<8x50048xf32> to vector<8x391x128xf32>
    %iota3A = tpu.iota {dimensions = array<i32: 1>} : vector<8x391x128xi32>
    %iota3A_2 = tpu.iota {dimensions = array<i32: 2>} : vector<8x391x128xi32>
    %iota3A_3 = tpu.iota {dimensions = array<i32: 1>} : vector<8x128xi32>
    %mul3A = arith.constant 128 : i32
    %mul3A_4 = vector.broadcast %mul3A : i32 to vector<8x391x128xi32>
    %mul3A_5 = arith.muli %iota3A, %mul3A_4 : vector<8x391x128xi32>
    %add3A = arith.addi %mul3A_5, %iota3A_2 : vector<8x391x128xi32>
    %lt3A = arith.constant 50000 : i32
    %lt3A_6 = vector.broadcast %lt3A : i32 to vector<8x391x128xi32>
    %lt3A_7 = arith.cmpi slt, %add3A, %lt3A_6 : vector<8x391x128xi32>
    %jit3A = arith.constant -1.000000e+00 : f32
    %broadcast_in_dim3A = vector.broadcast %jit3A : f32 to vector<8x391x128xf32>
    %select_n3A = arith.select %lt3A_7, %reshape3A, %broadcast_in_dim3A : vector<8x391x128xi1>, vector<8x391x128xf32>
    %reduce_max3A = arith.constant dense<0xFF800000> : vector<8x128xf32>
    %reduce_max3A_8 = vector.multi_reduction <maximumf>, %select_n3A, %reduce_max3A [1] : vector<8x391x128xf32> to vector<8x128xf32>
    %broadcast_in_dim3A_9 = vector.shape_cast %reduce_max3A_8 : vector<8x128xf32> to vector<8x1x128xf32>
    %eq3A = vector.broadcast %broadcast_in_dim3A_9 : vector<8x1x128xf32> to vector<8x391x128xf32>
    %eq3A_10 = arith.cmpf oeq, %select_n3A, %eq3A : vector<8x391x128xf32>
    %jit3A_11 = arith.constant 391 : i32
    %broadcast_in_dim3A_12 = vector.broadcast %jit3A_11 : i32 to vector<8x391x128xi32>
    %select_n3A_13 = arith.select %eq3A_10, %iota3A, %broadcast_in_dim3A_12 : vector<8x391x128xi1>, vector<8x391x128xi32>
    %reduce_min3A = arith.constant dense<2147483647> : vector<8x128xi32>
    %reduce_min3A_14 = vector.multi_reduction <minsi>, %select_n3A_13, %reduce_min3A [1] : vector<8x391x128xi32> to vector<8x128xi32>
    %broadcast_in_dim3A_15 = vector.shape_cast %reduce_min3A_14 : vector<8x128xi32> to vector<8x1x128xi32>
    %mul3A_16 = arith.constant 128 : i32
    %mul3A_17 = vector.broadcast %mul3A_16 : i32 to vector<8x1x128xi32>
    %mul3A_18 = arith.muli %broadcast_in_dim3A_15, %mul3A_17 : vector<8x1x128xi32>
    %slice3A = vector.extract_strided_slice %iota3A_2 {offsets = [0, 0, 0], sizes = [8, 1, 128], strides = [1, 1, 1]} : vector<8x391x128xi32> to vector<8x1x128xi32>
    %add3A_19 = arith.addi %mul3A_18, %slice3A : vector<8x1x128xi32>
    %eq3A_20 = vector.broadcast %broadcast_in_dim3A_15 : vector<8x1x128xi32> to vector<8x391x128xi32>
    %eq3A_21 = arith.cmpi eq, %iota3A, %eq3A_20 : vector<8x391x128xi32>
    %jit3A_22 = arith.constant -2.000000e+00 : f32
    %broadcast_in_dim3A_23 = vector.broadcast %jit3A_22 : f32 to vector<8x391x128xf32>
    %select_n3A_24 = arith.select %eq3A_21, %broadcast_in_dim3A_23, %select_n3A : vector<8x391x128xi1>, vector<8x391x128xf32>
    %reduce_max3A_25 = arith.constant dense<0xFF800000> : vector<8x128xf32>
    %reduce_max3A_26 = vector.multi_reduction <maximumf>, %select_n3A_24, %reduce_max3A_25 [1] : vector<8x391x128xf32> to vector<8x128xf32>
    %broadcast_in_dim3A_27 = vector.shape_cast %reduce_max3A_26 : vector<8x128xf32> to vector<8x1x128xf32>
    %eq3A_28 = vector.broadcast %broadcast_in_dim3A_27 : vector<8x1x128xf32> to vector<8x391x128xf32>
    %eq3A_29 = arith.cmpf oeq, %select_n3A_24, %eq3A_28 : vector<8x391x128xf32>
    %jit3A_30 = arith.constant 391 : i32
    %broadcast_in_dim3A_31 = vector.broadcast %jit3A_30 : i32 to vector<8x391x128xi32>
    %select_n3A_32 = arith.select %eq3A_29, %iota3A, %broadcast_in_dim3A_31 : vector<8x391x128xi1>, vector<8x391x128xi32>
    %reduce_min3A_33 = arith.constant dense<2147483647> : vector<8x128xi32>
    %reduce_min3A_34 = vector.multi_reduction <minsi>, %select_n3A_32, %reduce_min3A_33 [1] : vector<8x391x128xi32> to vector<8x128xi32>
    %broadcast_in_dim3A_35 = vector.shape_cast %reduce_min3A_34 : vector<8x128xi32> to vector<8x1x128xi32>
    %mul3A_36 = arith.constant 128 : i32
    %mul3A_37 = vector.broadcast %mul3A_36 : i32 to vector<8x1x128xi32>
    %mul3A_38 = arith.muli %broadcast_in_dim3A_35, %mul3A_37 : vector<8x1x128xi32>
    %slice3A_39 = vector.extract_strided_slice %iota3A_2 {offsets = [0, 0, 0], sizes = [8, 1, 128], strides = [1, 1, 1]} : vector<8x391x128xi32> to vector<8x1x128xi32>
    %add3A_40 = arith.addi %mul3A_38, %slice3A_39 : vector<8x1x128xi32>
    %eq3A_41 = vector.broadcast %broadcast_in_dim3A_35 : vector<8x1x128xi32> to vector<8x391x128xi32>
    %eq3A_42 = arith.cmpi eq, %iota3A, %eq3A_41 : vector<8x391x128xi32>
    %jit3A_43 = arith.constant -2.000000e+00 : f32
    %broadcast_in_dim3A_44 = vector.broadcast %jit3A_43 : f32 to vector<8x391x128xf32>
    %select_n3A_45 = arith.select %eq3A_42, %broadcast_in_dim3A_44, %select_n3A_24 : vector<8x391x128xi1>, vector<8x391x128xf32>
    %reduce_max3A_46 = arith.constant dense<0xFF800000> : vector<8x128xf32>
    %reduce_max3A_47 = vector.multi_reduction <maximumf>, %select_n3A_45, %reduce_max3A_46 [1] : vector<8x391x128xf32> to vector<8x128xf32>
    %broadcast_in_dim3A_48 = vector.shape_cast %reduce_max3A_47 : vector<8x128xf32> to vector<8x1x128xf32>
    %eq3A_49 = vector.broadcast %broadcast_in_dim3A_48 : vector<8x1x128xf32> to vector<8x391x128xf32>
    %eq3A_50 = arith.cmpf oeq, %select_n3A_45, %eq3A_49 : vector<8x391x128xf32>
    %jit3A_51 = arith.constant 391 : i32
    %broadcast_in_dim3A_52 = vector.broadcast %jit3A_51 : i32 to vector<8x391x128xi32>
    %select_n3A_53 = arith.select %eq3A_50, %iota3A, %broadcast_in_dim3A_52 : vector<8x391x128xi1>, vector<8x391x128xi32>
    %reduce_min3A_54 = arith.constant dense<2147483647> : vector<8x128xi32>
    %reduce_min3A_55 = vector.multi_reduction <minsi>, %select_n3A_53, %reduce_min3A_54 [1] : vector<8x391x128xi32> to vector<8x128xi32>
    %broadcast_in_dim3A_56 = vector.shape_cast %reduce_min3A_55 : vector<8x128xi32> to vector<8x1x128xi32>
    %mul3A_57 = arith.constant 128 : i32
    %mul3A_58 = vector.broadcast %mul3A_57 : i32 to vector<8x1x128xi32>
    %mul3A_59 = arith.muli %broadcast_in_dim3A_56, %mul3A_58 : vector<8x1x128xi32>
    %slice3A_60 = vector.extract_strided_slice %iota3A_2 {offsets = [0, 0, 0], sizes = [8, 1, 128], strides = [1, 1, 1]} : vector<8x391x128xi32> to vector<8x1x128xi32>
    %add3A_61 = arith.addi %mul3A_59, %slice3A_60 : vector<8x1x128xi32>
    %eq3A_62 = vector.broadcast %broadcast_in_dim3A_56 : vector<8x1x128xi32> to vector<8x391x128xi32>
    %eq3A_63 = arith.cmpi eq, %iota3A, %eq3A_62 : vector<8x391x128xi32>
    %jit3A_64 = arith.constant -2.000000e+00 : f32
    %broadcast_in_dim3A_65 = vector.broadcast %jit3A_64 : f32 to vector<8x391x128xf32>
    %select_n3A_66 = arith.select %eq3A_63, %broadcast_in_dim3A_65, %select_n3A_45 : vector<8x391x128xi1>, vector<8x391x128xf32>
    %reduce_max3A_67 = arith.constant dense<0xFF800000> : vector<8x128xf32>
    %reduce_max3A_68 = vector.multi_reduction <maximumf>, %select_n3A_66, %reduce_max3A_67 [1] : vector<8x391x128xf32> to vector<8x128xf32>
    %broadcast_in_dim3A_69 = vector.shape_cast %reduce_max3A_68 : vector<8x128xf32> to vector<8x1x128xf32>
    %eq3A_70 = vector.broadcast %broadcast_in_dim3A_69 : vector<8x1x128xf32> to vector<8x391x128xf32>
    %eq3A_71 = arith.cmpf oeq, %select_n3A_66, %eq3A_70 : vector<8x391x128xf32>
    %jit3A_72 = arith.constant 391 : i32
    %broadcast_in_dim3A_73 = vector.broadcast %jit3A_72 : i32 to vector<8x391x128xi32>
    %select_n3A_74 = arith.select %eq3A_71, %iota3A, %broadcast_in_dim3A_73 : vector<8x391x128xi1>, vector<8x391x128xi32>
    %reduce_min3A_75 = arith.constant dense<2147483647> : vector<8x128xi32>
    %reduce_min3A_76 = vector.multi_reduction <minsi>, %select_n3A_74, %reduce_min3A_75 [1] : vector<8x391x128xi32> to vector<8x128xi32>
    %broadcast_in_dim3A_77 = vector.shape_cast %reduce_min3A_76 : vector<8x128xi32> to vector<8x1x128xi32>
    %mul3A_78 = arith.constant 128 : i32
    %mul3A_79 = vector.broadcast %mul3A_78 : i32 to vector<8x1x128xi32>
    %mul3A_80 = arith.muli %broadcast_in_dim3A_77, %mul3A_79 : vector<8x1x128xi32>
    %slice3A_81 = vector.extract_strided_slice %iota3A_2 {offsets = [0, 0, 0], sizes = [8, 1, 128], strides = [1, 1, 1]} : vector<8x391x128xi32> to vector<8x1x128xi32>
    %add3A_82 = arith.addi %mul3A_80, %slice3A_81 : vector<8x1x128xi32>
    %eq3A_83 = vector.broadcast %broadcast_in_dim3A_77 : vector<8x1x128xi32> to vector<8x391x128xi32>
    %eq3A_84 = arith.cmpi eq, %iota3A, %eq3A_83 : vector<8x391x128xi32>
    %jit3A_85 = arith.constant -2.000000e+00 : f32
    %broadcast_in_dim3A_86 = vector.broadcast %jit3A_85 : f32 to vector<8x391x128xf32>
    %select_n3A_87 = arith.select %eq3A_84, %broadcast_in_dim3A_86, %select_n3A_66 : vector<8x391x128xi1>, vector<8x391x128xf32>
    %reduce_max3A_88 = arith.constant dense<0xFF800000> : vector<8x128xf32>
    %reduce_max3A_89 = vector.multi_reduction <maximumf>, %select_n3A_87, %reduce_max3A_88 [1] : vector<8x391x128xf32> to vector<8x128xf32>
    %broadcast_in_dim3A_90 = vector.shape_cast %reduce_max3A_89 : vector<8x128xf32> to vector<8x1x128xf32>
    %eq3A_91 = vector.broadcast %broadcast_in_dim3A_90 : vector<8x1x128xf32> to vector<8x391x128xf32>
    %eq3A_92 = arith.cmpf oeq, %select_n3A_87, %eq3A_91 : vector<8x391x128xf32>
    %jit3A_93 = arith.constant 391 : i32
    %broadcast_in_dim3A_94 = vector.broadcast %jit3A_93 : i32 to vector<8x391x128xi32>
    %select_n3A_95 = arith.select %eq3A_92, %iota3A, %broadcast_in_dim3A_94 : vector<8x391x128xi1>, vector<8x391x128xi32>
    %reduce_min3A_96 = arith.constant dense<2147483647> : vector<8x128xi32>
    %reduce_min3A_97 = vector.multi_reduction <minsi>, %select_n3A_95, %reduce_min3A_96 [1] : vector<8x391x128xi32> to vector<8x128xi32>
    %broadcast_in_dim3A_98 = vector.shape_cast %reduce_min3A_97 : vector<8x128xi32> to vector<8x1x128xi32>
    %mul3A_99 = arith.constant 128 : i32
    %mul3A_100 = vector.broadcast %mul3A_99 : i32 to vector<8x1x128xi32>
    %mul3A_101 = arith.muli %broadcast_in_dim3A_98, %mul3A_100 : vector<8x1x128xi32>
    %slice3A_102 = vector.extract_strided_slice %iota3A_2 {offsets = [0, 0, 0], sizes = [8, 1, 128], strides = [1, 1, 1]} : vector<8x391x128xi32> to vector<8x1x128xi32>
    %add3A_103 = arith.addi %mul3A_101, %slice3A_102 : vector<8x1x128xi32>
    %eq3A_104 = vector.broadcast %broadcast_in_dim3A_98 : vector<8x1x128xi32> to vector<8x391x128xi32>
    %eq3A_105 = arith.cmpi eq, %iota3A, %eq3A_104 : vector<8x391x128xi32>
    %jit3A_106 = arith.constant -2.000000e+00 : f32
    %broadcast_in_dim3A_107 = vector.broadcast %jit3A_106 : f32 to vector<8x391x128xf32>
    %select_n3A_108 = arith.select %eq3A_105, %broadcast_in_dim3A_107, %select_n3A_87 : vector<8x391x128xi1>, vector<8x391x128xf32>
    %reduce_max3A_109 = arith.constant dense<0xFF800000> : vector<8x128xf32>
    %reduce_max3A_110 = vector.multi_reduction <maximumf>, %select_n3A_108, %reduce_max3A_109 [1] : vector<8x391x128xf32> to vector<8x128xf32>
    %broadcast_in_dim3A_111 = vector.shape_cast %reduce_max3A_110 : vector<8x128xf32> to vector<8x1x128xf32>
    %eq3A_112 = vector.broadcast %broadcast_in_dim3A_111 : vector<8x1x128xf32> to vector<8x391x128xf32>
    %eq3A_113 = arith.cmpf oeq, %select_n3A_108, %eq3A_112 : vector<8x391x128xf32>
    %jit3A_114 = arith.constant 391 : i32
    %broadcast_in_dim3A_115 = vector.broadcast %jit3A_114 : i32 to vector<8x391x128xi32>
    %select_n3A_116 = arith.select %eq3A_113, %iota3A, %broadcast_in_dim3A_115 : vector<8x391x128xi1>, vector<8x391x128xi32>
    %reduce_min3A_117 = arith.constant dense<2147483647> : vector<8x128xi32>
    %reduce_min3A_118 = vector.multi_reduction <minsi>, %select_n3A_116, %reduce_min3A_117 [1] : vector<8x391x128xi32> to vector<8x128xi32>
    %broadcast_in_dim3A_119 = vector.shape_cast %reduce_min3A_118 : vector<8x128xi32> to vector<8x1x128xi32>
    %mul3A_120 = arith.constant 128 : i32
    %mul3A_121 = vector.broadcast %mul3A_120 : i32 to vector<8x1x128xi32>
    %mul3A_122 = arith.muli %broadcast_in_dim3A_119, %mul3A_121 : vector<8x1x128xi32>
    %slice3A_123 = vector.extract_strided_slice %iota3A_2 {offsets = [0, 0, 0], sizes = [8, 1, 128], strides = [1, 1, 1]} : vector<8x391x128xi32> to vector<8x1x128xi32>
    %add3A_124 = arith.addi %mul3A_122, %slice3A_123 : vector<8x1x128xi32>
    %eq3A_125 = vector.broadcast %broadcast_in_dim3A_119 : vector<8x1x128xi32> to vector<8x391x128xi32>
    %eq3A_126 = arith.cmpi eq, %iota3A, %eq3A_125 : vector<8x391x128xi32>
    %jit3A_127 = arith.constant -2.000000e+00 : f32
    %broadcast_in_dim3A_128 = vector.broadcast %jit3A_127 : f32 to vector<8x391x128xf32>
    %select_n3A_129 = arith.select %eq3A_126, %broadcast_in_dim3A_128, %select_n3A_108 : vector<8x391x128xi1>, vector<8x391x128xf32>
    %reduce_max3A_130 = arith.constant dense<0xFF800000> : vector<8x128xf32>
    %reduce_max3A_131 = vector.multi_reduction <maximumf>, %select_n3A_129, %reduce_max3A_130 [1] : vector<8x391x128xf32> to vector<8x128xf32>
    %broadcast_in_dim3A_132 = vector.shape_cast %reduce_max3A_131 : vector<8x128xf32> to vector<8x1x128xf32>
    %eq3A_133 = vector.broadcast %broadcast_in_dim3A_132 : vector<8x1x128xf32> to vector<8x391x128xf32>
    %eq3A_134 = arith.cmpf oeq, %select_n3A_129, %eq3A_133 : vector<8x391x128xf32>
    %jit3A_135 = arith.constant 391 : i32
    %broadcast_in_dim3A_136 = vector.broadcast %jit3A_135 : i32 to vector<8x391x128xi32>
    %select_n3A_137 = arith.select %eq3A_134, %iota3A, %broadcast_in_dim3A_136 : vector<8x391x128xi1>, vector<8x391x128xi32>
    %reduce_min3A_138 = arith.constant dense<2147483647> : vector<8x128xi32>
    %reduce_min3A_139 = vector.multi_reduction <minsi>, %select_n3A_137, %reduce_min3A_138 [1] : vector<8x391x128xi32> to vector<8x128xi32>
    %broadcast_in_dim3A_140 = vector.shape_cast %reduce_min3A_139 : vector<8x128xi32> to vector<8x1x128xi32>
    %mul3A_141 = arith.constant 128 : i32
    %mul3A_142 = vector.broadcast %mul3A_141 : i32 to vector<8x1x128xi32>
    %mul3A_143 = arith.muli %broadcast_in_dim3A_140, %mul3A_142 : vector<8x1x128xi32>
    %slice3A_144 = vector.extract_strided_slice %iota3A_2 {offsets = [0, 0, 0], sizes = [8, 1, 128], strides = [1, 1, 1]} : vector<8x391x128xi32> to vector<8x1x128xi32>
    %add3A_145 = arith.addi %mul3A_143, %slice3A_144 : vector<8x1x128xi32>
    %eq3A_146 = vector.broadcast %broadcast_in_dim3A_140 : vector<8x1x128xi32> to vector<8x391x128xi32>
    %eq3A_147 = arith.cmpi eq, %iota3A, %eq3A_146 : vector<8x391x128xi32>
    %jit3A_148 = arith.constant -2.000000e+00 : f32
    %broadcast_in_dim3A_149 = vector.broadcast %jit3A_148 : f32 to vector<8x391x128xf32>
    %select_n3A_150 = arith.select %eq3A_147, %broadcast_in_dim3A_149, %select_n3A_129 : vector<8x391x128xi1>, vector<8x391x128xf32>
    %reduce_max3A_151 = arith.constant dense<0xFF800000> : vector<8x128xf32>
    %reduce_max3A_152 = vector.multi_reduction <maximumf>, %select_n3A_150, %reduce_max3A_151 [1] : vector<8x391x128xf32> to vector<8x128xf32>
    %broadcast_in_dim3A_153 = vector.shape_cast %reduce_max3A_152 : vector<8x128xf32> to vector<8x1x128xf32>
    %eq3A_154 = vector.broadcast %broadcast_in_dim3A_153 : vector<8x1x128xf32> to vector<8x391x128xf32>
    %eq3A_155 = arith.cmpf oeq, %select_n3A_150, %eq3A_154 : vector<8x391x128xf32>
    %jit3A_156 = arith.constant 391 : i32
    %broadcast_in_dim3A_157 = vector.broadcast %jit3A_156 : i32 to vector<8x391x128xi32>
    %select_n3A_158 = arith.select %eq3A_155, %iota3A, %broadcast_in_dim3A_157 : vector<8x391x128xi1>, vector<8x391x128xi32>
    %reduce_min3A_159 = arith.constant dense<2147483647> : vector<8x128xi32>
    %reduce_min3A_160 = vector.multi_reduction <minsi>, %select_n3A_158, %reduce_min3A_159 [1] : vector<8x391x128xi32> to vector<8x128xi32>
    %broadcast_in_dim3A_161 = vector.shape_cast %reduce_min3A_160 : vector<8x128xi32> to vector<8x1x128xi32>
    %mul3A_162 = arith.constant 128 : i32
    %mul3A_163 = vector.broadcast %mul3A_162 : i32 to vector<8x1x128xi32>
    %mul3A_164 = arith.muli %broadcast_in_dim3A_161, %mul3A_163 : vector<8x1x128xi32>
    %slice3A_165 = vector.extract_strided_slice %iota3A_2 {offsets = [0, 0, 0], sizes = [8, 1, 128], strides = [1, 1, 1]} : vector<8x391x128xi32> to vector<8x1x128xi32>
    %add3A_166 = arith.addi %mul3A_164, %slice3A_165 : vector<8x1x128xi32>
    %concatenate3A = tpu.concatenate %broadcast_in_dim3A_9, %broadcast_in_dim3A_27, %broadcast_in_dim3A_48, %broadcast_in_dim3A_69, %broadcast_in_dim3A_90, %broadcast_in_dim3A_111, %broadcast_in_dim3A_132, %broadcast_in_dim3A_153 in 1 : vector<8x1x128xf32>, vector<8x1x128xf32>, vector<8x1x128xf32>, vector<8x1x128xf32>, vector<8x1x128xf32>, vector<8x1x128xf32>, vector<8x1x128xf32>, vector<8x1x128xf32> -> vector<8x8x128xf32>
    %concatenate3A_167 = tpu.concatenate %add3A_19, %add3A_40, %add3A_61, %add3A_82, %add3A_103, %add3A_124, %add3A_145, %add3A_166 in 1 : vector<8x1x128xi32>, vector<8x1x128xi32>, vector<8x1x128xi32>, vector<8x1x128xi32>, vector<8x1x128xi32>, vector<8x1x128xi32>, vector<8x1x128xi32>, vector<8x1x128xi32> -> vector<8x8x128xi32>
    %broadcast_in_dim3A_168 = arith.constant -1.000000e+30 : f32
    %broadcast_in_dim3A_169 = vector.broadcast %broadcast_in_dim3A_168 : f32 to vector<8x128xf32>
    %broadcast_in_dim3A_170 = arith.constant 1073741824 : i32
    %broadcast_in_dim3A_171 = vector.broadcast %broadcast_in_dim3A_170 : i32 to vector<8x128xi32>
    %reduce_max3A_172 = arith.constant dense<0xFF800000> : vector<8x8xf32>
    %reduce_max3A_173 = vector.multi_reduction <maximumf>, %concatenate3A, %reduce_max3A_172 [2] : vector<8x8x128xf32> to vector<8x8xf32>
    %broadcast_in_dim3A_174 = vector.shape_cast %reduce_max3A_173 : vector<8x8xf32> to vector<8x8x1xf32>
    %reduce_max3A_175 = arith.constant dense<0xFF800000> : vector<8x1xf32>
    %reduce_max3A_176 = vector.multi_reduction <maximumf>, %broadcast_in_dim3A_174, %reduce_max3A_175 [1] : vector<8x8x1xf32> to vector<8x1xf32>
    %broadcast_in_dim3A_177 = vector.shape_cast %reduce_max3A_176 : vector<8x1xf32> to vector<8x1x1xf32>
    %eq3A_178 = vector.broadcast %broadcast_in_dim3A_177 : vector<8x1x1xf32> to vector<8x8x128xf32>
    %eq3A_179 = arith.cmpf oeq, %concatenate3A, %eq3A_178 : vector<8x8x128xf32>
    %jit3A_180 = arith.constant 1073741824 : i32
    %broadcast_in_dim3A_181 = vector.broadcast %jit3A_180 : i32 to vector<8x8x128xi32>
    %select_n3A_182 = arith.select %eq3A_179, %concatenate3A_167, %broadcast_in_dim3A_181 : vector<8x8x128xi1>, vector<8x8x128xi32>
    %reduce_min3A_183 = arith.constant dense<2147483647> : vector<8x8xi32>
    %reduce_min3A_184 = vector.multi_reduction <minsi>, %select_n3A_182, %reduce_min3A_183 [2] : vector<8x8x128xi32> to vector<8x8xi32>
    %broadcast_in_dim3A_185 = vector.shape_cast %reduce_min3A_184 : vector<8x8xi32> to vector<8x8x1xi32>
    %reduce_min3A_186 = arith.constant dense<2147483647> : vector<8x1xi32>
    %reduce_min3A_187 = vector.multi_reduction <minsi>, %broadcast_in_dim3A_185, %reduce_min3A_186 [1] : vector<8x8x1xi32> to vector<8x1xi32>
    %broadcast_in_dim3A_188 = vector.shape_cast %reduce_min3A_187 : vector<8x1xi32> to vector<8x1x1xi32>
    %eq3A_189 = arith.constant 0 : i32
    %eq3A_190 = vector.broadcast %eq3A_189 : i32 to vector<8x128xi32>
    %eq3A_191 = arith.cmpi eq, %iota3A_3, %eq3A_190 : vector<8x128xi32>
    %squeeze3A = vector.shape_cast %broadcast_in_dim3A_177 : vector<8x1x1xf32> to vector<8x1xf32>
    %broadcast_in_dim3A_192 = vector.shape_cast %squeeze3A : vector<8x1xf32> to vector<8x1xf32>
    %broadcast_in_dim3A_193 = vector.broadcast %broadcast_in_dim3A_192 : vector<8x1xf32> to vector<8x128xf32>
    %select_n3A_194 = arith.select %eq3A_191, %broadcast_in_dim3A_193, %broadcast_in_dim3A_169 : vector<8x128xi1>, vector<8x128xf32>
    %eq3A_195 = arith.constant 0 : i32
    %eq3A_196 = vector.broadcast %eq3A_195 : i32 to vector<8x128xi32>
    %eq3A_197 = arith.cmpi eq, %iota3A_3, %eq3A_196 : vector<8x128xi32>
    %squeeze3A_198 = vector.shape_cast %broadcast_in_dim3A_188 : vector<8x1x1xi32> to vector<8x1xi32>
    %broadcast_in_dim3A_199 = vector.shape_cast %squeeze3A_198 : vector<8x1xi32> to vector<8x1xi32>
    %broadcast_in_dim3A_200 = vector.broadcast %broadcast_in_dim3A_199 : vector<8x1xi32> to vector<8x128xi32>
    %select_n3A_201 = arith.select %eq3A_197, %broadcast_in_dim3A_200, %broadcast_in_dim3A_171 : vector<8x128xi1>, vector<8x128xi32>
    %eq3A_202 = vector.broadcast %broadcast_in_dim3A_177 : vector<8x1x1xf32> to vector<8x8x128xf32>
    %eq3A_203 = arith.cmpf oeq, %concatenate3A, %eq3A_202 : vector<8x8x128xf32>
    %eq3A_204 = vector.broadcast %broadcast_in_dim3A_188 : vector<8x1x1xi32> to vector<8x8x128xi32>
    %eq3A_205 = arith.cmpi eq, %concatenate3A_167, %eq3A_204 : vector<8x8x128xi32>
    %and3A = arith.andi %eq3A_203, %eq3A_205 : vector<8x8x128xi1>
    %jit3A_206 = arith.constant -1.000000e+30 : f32
    %broadcast_in_dim3A_207 = vector.broadcast %jit3A_206 : f32 to vector<8x8x128xf32>
    %select_n3A_208 = arith.select %and3A, %broadcast_in_dim3A_207, %concatenate3A : vector<8x8x128xi1>, vector<8x8x128xf32>
    %reduce_max3A_209 = arith.constant dense<0xFF800000> : vector<8x8xf32>
    %reduce_max3A_210 = vector.multi_reduction <maximumf>, %select_n3A_208, %reduce_max3A_209 [2] : vector<8x8x128xf32> to vector<8x8xf32>
    %broadcast_in_dim3A_211 = vector.shape_cast %reduce_max3A_210 : vector<8x8xf32> to vector<8x8x1xf32>
    %reduce_max3A_212 = arith.constant dense<0xFF800000> : vector<8x1xf32>
    %reduce_max3A_213 = vector.multi_reduction <maximumf>, %broadcast_in_dim3A_211, %reduce_max3A_212 [1] : vector<8x8x1xf32> to vector<8x1xf32>
    %broadcast_in_dim3A_214 = vector.shape_cast %reduce_max3A_213 : vector<8x1xf32> to vector<8x1x1xf32>
    %eq3A_215 = vector.broadcast %broadcast_in_dim3A_214 : vector<8x1x1xf32> to vector<8x8x128xf32>
    %eq3A_216 = arith.cmpf oeq, %select_n3A_208, %eq3A_215 : vector<8x8x128xf32>
    %jit3A_217 = arith.constant 1073741824 : i32
    %broadcast_in_dim3A_218 = vector.broadcast %jit3A_217 : i32 to vector<8x8x128xi32>
    %select_n3A_219 = arith.select %eq3A_216, %concatenate3A_167, %broadcast_in_dim3A_218 : vector<8x8x128xi1>, vector<8x8x128xi32>
    %reduce_min3A_220 = arith.constant dense<2147483647> : vector<8x8xi32>
    %reduce_min3A_221 = vector.multi_reduction <minsi>, %select_n3A_219, %reduce_min3A_220 [2] : vector<8x8x128xi32> to vector<8x8xi32>
    %broadcast_in_dim3A_222 = vector.shape_cast %reduce_min3A_221 : vector<8x8xi32> to vector<8x8x1xi32>
    %reduce_min3A_223 = arith.constant dense<2147483647> : vector<8x1xi32>
    %reduce_min3A_224 = vector.multi_reduction <minsi>, %broadcast_in_dim3A_222, %reduce_min3A_223 [1] : vector<8x8x1xi32> to vector<8x1xi32>
    %broadcast_in_dim3A_225 = vector.shape_cast %reduce_min3A_224 : vector<8x1xi32> to vector<8x1x1xi32>
    %eq3A_226 = arith.constant 1 : i32
    %eq3A_227 = vector.broadcast %eq3A_226 : i32 to vector<8x128xi32>
    %eq3A_228 = arith.cmpi eq, %iota3A_3, %eq3A_227 : vector<8x128xi32>
    %squeeze3A_229 = vector.shape_cast %broadcast_in_dim3A_214 : vector<8x1x1xf32> to vector<8x1xf32>
    %broadcast_in_dim3A_230 = vector.shape_cast %squeeze3A_229 : vector<8x1xf32> to vector<8x1xf32>
    %broadcast_in_dim3A_231 = vector.broadcast %broadcast_in_dim3A_230 : vector<8x1xf32> to vector<8x128xf32>
    %select_n3A_232 = arith.select %eq3A_228, %broadcast_in_dim3A_231, %select_n3A_194 : vector<8x128xi1>, vector<8x128xf32>
    %eq3A_233 = arith.constant 1 : i32
    %eq3A_234 = vector.broadcast %eq3A_233 : i32 to vector<8x128xi32>
    %eq3A_235 = arith.cmpi eq, %iota3A_3, %eq3A_234 : vector<8x128xi32>
    %squeeze3A_236 = vector.shape_cast %broadcast_in_dim3A_225 : vector<8x1x1xi32> to vector<8x1xi32>
    %broadcast_in_dim3A_237 = vector.shape_cast %squeeze3A_236 : vector<8x1xi32> to vector<8x1xi32>
    %broadcast_in_dim3A_238 = vector.broadcast %broadcast_in_dim3A_237 : vector<8x1xi32> to vector<8x128xi32>
    %select_n3A_239 = arith.select %eq3A_235, %broadcast_in_dim3A_238, %select_n3A_201 : vector<8x128xi1>, vector<8x128xi32>
    %eq3A_240 = vector.broadcast %broadcast_in_dim3A_214 : vector<8x1x1xf32> to vector<8x8x128xf32>
    %eq3A_241 = arith.cmpf oeq, %select_n3A_208, %eq3A_240 : vector<8x8x128xf32>
    %eq3A_242 = vector.broadcast %broadcast_in_dim3A_225 : vector<8x1x1xi32> to vector<8x8x128xi32>
    %eq3A_243 = arith.cmpi eq, %concatenate3A_167, %eq3A_242 : vector<8x8x128xi32>
    %and3A_244 = arith.andi %eq3A_241, %eq3A_243 : vector<8x8x128xi1>
    %jit3A_245 = arith.constant -1.000000e+30 : f32
    %broadcast_in_dim3A_246 = vector.broadcast %jit3A_245 : f32 to vector<8x8x128xf32>
    %select_n3A_247 = arith.select %and3A_244, %broadcast_in_dim3A_246, %select_n3A_208 : vector<8x8x128xi1>, vector<8x8x128xf32>
    %reduce_max3A_248 = arith.constant dense<0xFF800000> : vector<8x8xf32>
    %reduce_max3A_249 = vector.multi_reduction <maximumf>, %select_n3A_247, %reduce_max3A_248 [2] : vector<8x8x128xf32> to vector<8x8xf32>
    %broadcast_in_dim3A_250 = vector.shape_cast %reduce_max3A_249 : vector<8x8xf32> to vector<8x8x1xf32>
    %reduce_max3A_251 = arith.constant dense<0xFF800000> : vector<8x1xf32>
    %reduce_max3A_252 = vector.multi_reduction <maximumf>, %broadcast_in_dim3A_250, %reduce_max3A_251 [1] : vector<8x8x1xf32> to vector<8x1xf32>
    %broadcast_in_dim3A_253 = vector.shape_cast %reduce_max3A_252 : vector<8x1xf32> to vector<8x1x1xf32>
    %eq3A_254 = vector.broadcast %broadcast_in_dim3A_253 : vector<8x1x1xf32> to vector<8x8x128xf32>
    %eq3A_255 = arith.cmpf oeq, %select_n3A_247, %eq3A_254 : vector<8x8x128xf32>
    %jit3A_256 = arith.constant 1073741824 : i32
    %broadcast_in_dim3A_257 = vector.broadcast %jit3A_256 : i32 to vector<8x8x128xi32>
    %select_n3A_258 = arith.select %eq3A_255, %concatenate3A_167, %broadcast_in_dim3A_257 : vector<8x8x128xi1>, vector<8x8x128xi32>
    %reduce_min3A_259 = arith.constant dense<2147483647> : vector<8x8xi32>
    %reduce_min3A_260 = vector.multi_reduction <minsi>, %select_n3A_258, %reduce_min3A_259 [2] : vector<8x8x128xi32> to vector<8x8xi32>
    %broadcast_in_dim3A_261 = vector.shape_cast %reduce_min3A_260 : vector<8x8xi32> to vector<8x8x1xi32>
    %reduce_min3A_262 = arith.constant dense<2147483647> : vector<8x1xi32>
    %reduce_min3A_263 = vector.multi_reduction <minsi>, %broadcast_in_dim3A_261, %reduce_min3A_262 [1] : vector<8x8x1xi32> to vector<8x1xi32>
    %broadcast_in_dim3A_264 = vector.shape_cast %reduce_min3A_263 : vector<8x1xi32> to vector<8x1x1xi32>
    %eq3A_265 = arith.constant 2 : i32
    %eq3A_266 = vector.broadcast %eq3A_265 : i32 to vector<8x128xi32>
    %eq3A_267 = arith.cmpi eq, %iota3A_3, %eq3A_266 : vector<8x128xi32>
    %squeeze3A_268 = vector.shape_cast %broadcast_in_dim3A_253 : vector<8x1x1xf32> to vector<8x1xf32>
    %broadcast_in_dim3A_269 = vector.shape_cast %squeeze3A_268 : vector<8x1xf32> to vector<8x1xf32>
    %broadcast_in_dim3A_270 = vector.broadcast %broadcast_in_dim3A_269 : vector<8x1xf32> to vector<8x128xf32>
    %select_n3A_271 = arith.select %eq3A_267, %broadcast_in_dim3A_270, %select_n3A_232 : vector<8x128xi1>, vector<8x128xf32>
    %eq3A_272 = arith.constant 2 : i32
    %eq3A_273 = vector.broadcast %eq3A_272 : i32 to vector<8x128xi32>
    %eq3A_274 = arith.cmpi eq, %iota3A_3, %eq3A_273 : vector<8x128xi32>
    %squeeze3A_275 = vector.shape_cast %broadcast_in_dim3A_264 : vector<8x1x1xi32> to vector<8x1xi32>
    %broadcast_in_dim3A_276 = vector.shape_cast %squeeze3A_275 : vector<8x1xi32> to vector<8x1xi32>
    %broadcast_in_dim3A_277 = vector.broadcast %broadcast_in_dim3A_276 : vector<8x1xi32> to vector<8x128xi32>
    %select_n3A_278 = arith.select %eq3A_274, %broadcast_in_dim3A_277, %select_n3A_239 : vector<8x128xi1>, vector<8x128xi32>
    %eq3A_279 = vector.broadcast %broadcast_in_dim3A_253 : vector<8x1x1xf32> to vector<8x8x128xf32>
    %eq3A_280 = arith.cmpf oeq, %select_n3A_247, %eq3A_279 : vector<8x8x128xf32>
    %eq3A_281 = vector.broadcast %broadcast_in_dim3A_264 : vector<8x1x1xi32> to vector<8x8x128xi32>
    %eq3A_282 = arith.cmpi eq, %concatenate3A_167, %eq3A_281 : vector<8x8x128xi32>
    %and3A_283 = arith.andi %eq3A_280, %eq3A_282 : vector<8x8x128xi1>
    %jit3A_284 = arith.constant -1.000000e+30 : f32
    %broadcast_in_dim3A_285 = vector.broadcast %jit3A_284 : f32 to vector<8x8x128xf32>
    %select_n3A_286 = arith.select %and3A_283, %broadcast_in_dim3A_285, %select_n3A_247 : vector<8x8x128xi1>, vector<8x8x128xf32>
    %reduce_max3A_287 = arith.constant dense<0xFF800000> : vector<8x8xf32>
    %reduce_max3A_288 = vector.multi_reduction <maximumf>, %select_n3A_286, %reduce_max3A_287 [2] : vector<8x8x128xf32> to vector<8x8xf32>
    %broadcast_in_dim3A_289 = vector.shape_cast %reduce_max3A_288 : vector<8x8xf32> to vector<8x8x1xf32>
    %reduce_max3A_290 = arith.constant dense<0xFF800000> : vector<8x1xf32>
    %reduce_max3A_291 = vector.multi_reduction <maximumf>, %broadcast_in_dim3A_289, %reduce_max3A_290 [1] : vector<8x8x1xf32> to vector<8x1xf32>
    %broadcast_in_dim3A_292 = vector.shape_cast %reduce_max3A_291 : vector<8x1xf32> to vector<8x1x1xf32>
    %eq3A_293 = vector.broadcast %broadcast_in_dim3A_292 : vector<8x1x1xf32> to vector<8x8x128xf32>
    %eq3A_294 = arith.cmpf oeq, %select_n3A_286, %eq3A_293 : vector<8x8x128xf32>
    %jit3A_295 = arith.constant 1073741824 : i32
    %broadcast_in_dim3A_296 = vector.broadcast %jit3A_295 : i32 to vector<8x8x128xi32>
    %select_n3A_297 = arith.select %eq3A_294, %concatenate3A_167, %broadcast_in_dim3A_296 : vector<8x8x128xi1>, vector<8x8x128xi32>
    %reduce_min3A_298 = arith.constant dense<2147483647> : vector<8x8xi32>
    %reduce_min3A_299 = vector.multi_reduction <minsi>, %select_n3A_297, %reduce_min3A_298 [2] : vector<8x8x128xi32> to vector<8x8xi32>
    %broadcast_in_dim3A_300 = vector.shape_cast %reduce_min3A_299 : vector<8x8xi32> to vector<8x8x1xi32>
    %reduce_min3A_301 = arith.constant dense<2147483647> : vector<8x1xi32>
    %reduce_min3A_302 = vector.multi_reduction <minsi>, %broadcast_in_dim3A_300, %reduce_min3A_301 [1] : vector<8x8x1xi32> to vector<8x1xi32>
    %broadcast_in_dim3A_303 = vector.shape_cast %reduce_min3A_302 : vector<8x1xi32> to vector<8x1x1xi32>
    %eq3A_304 = arith.constant 3 : i32
    %eq3A_305 = vector.broadcast %eq3A_304 : i32 to vector<8x128xi32>
    %eq3A_306 = arith.cmpi eq, %iota3A_3, %eq3A_305 : vector<8x128xi32>
    %squeeze3A_307 = vector.shape_cast %broadcast_in_dim3A_292 : vector<8x1x1xf32> to vector<8x1xf32>
    %broadcast_in_dim3A_308 = vector.shape_cast %squeeze3A_307 : vector<8x1xf32> to vector<8x1xf32>
    %broadcast_in_dim3A_309 = vector.broadcast %broadcast_in_dim3A_308 : vector<8x1xf32> to vector<8x128xf32>
    %select_n3A_310 = arith.select %eq3A_306, %broadcast_in_dim3A_309, %select_n3A_271 : vector<8x128xi1>, vector<8x128xf32>
    %eq3A_311 = arith.constant 3 : i32
    %eq3A_312 = vector.broadcast %eq3A_311 : i32 to vector<8x128xi32>
    %eq3A_313 = arith.cmpi eq, %iota3A_3, %eq3A_312 : vector<8x128xi32>
    %squeeze3A_314 = vector.shape_cast %broadcast_in_dim3A_303 : vector<8x1x1xi32> to vector<8x1xi32>
    %broadcast_in_dim3A_315 = vector.shape_cast %squeeze3A_314 : vector<8x1xi32> to vector<8x1xi32>
    %broadcast_in_dim3A_316 = vector.broadcast %broadcast_in_dim3A_315 : vector<8x1xi32> to vector<8x128xi32>
    %select_n3A_317 = arith.select %eq3A_313, %broadcast_in_dim3A_316, %select_n3A_278 : vector<8x128xi1>, vector<8x128xi32>
    %eq3A_318 = vector.broadcast %broadcast_in_dim3A_292 : vector<8x1x1xf32> to vector<8x8x128xf32>
    %eq3A_319 = arith.cmpf oeq, %select_n3A_286, %eq3A_318 : vector<8x8x128xf32>
    %eq3A_320 = vector.broadcast %broadcast_in_dim3A_303 : vector<8x1x1xi32> to vector<8x8x128xi32>
    %eq3A_321 = arith.cmpi eq, %concatenate3A_167, %eq3A_320 : vector<8x8x128xi32>
    %and3A_322 = arith.andi %eq3A_319, %eq3A_321 : vector<8x8x128xi1>
    %jit3A_323 = arith.constant -1.000000e+30 : f32
    %broadcast_in_dim3A_324 = vector.broadcast %jit3A_323 : f32 to vector<8x8x128xf32>
    %select_n3A_325 = arith.select %and3A_322, %broadcast_in_dim3A_324, %select_n3A_286 : vector<8x8x128xi1>, vector<8x8x128xf32>
    %reduce_max3A_326 = arith.constant dense<0xFF800000> : vector<8x8xf32>
    %reduce_max3A_327 = vector.multi_reduction <maximumf>, %select_n3A_325, %reduce_max3A_326 [2] : vector<8x8x128xf32> to vector<8x8xf32>
    %broadcast_in_dim3A_328 = vector.shape_cast %reduce_max3A_327 : vector<8x8xf32> to vector<8x8x1xf32>
    %reduce_max3A_329 = arith.constant dense<0xFF800000> : vector<8x1xf32>
    %reduce_max3A_330 = vector.multi_reduction <maximumf>, %broadcast_in_dim3A_328, %reduce_max3A_329 [1] : vector<8x8x1xf32> to vector<8x1xf32>
    %broadcast_in_dim3A_331 = vector.shape_cast %reduce_max3A_330 : vector<8x1xf32> to vector<8x1x1xf32>
    %eq3A_332 = vector.broadcast %broadcast_in_dim3A_331 : vector<8x1x1xf32> to vector<8x8x128xf32>
    %eq3A_333 = arith.cmpf oeq, %select_n3A_325, %eq3A_332 : vector<8x8x128xf32>
    %jit3A_334 = arith.constant 1073741824 : i32
    %broadcast_in_dim3A_335 = vector.broadcast %jit3A_334 : i32 to vector<8x8x128xi32>
    %select_n3A_336 = arith.select %eq3A_333, %concatenate3A_167, %broadcast_in_dim3A_335 : vector<8x8x128xi1>, vector<8x8x128xi32>
    %reduce_min3A_337 = arith.constant dense<2147483647> : vector<8x8xi32>
    %reduce_min3A_338 = vector.multi_reduction <minsi>, %select_n3A_336, %reduce_min3A_337 [2] : vector<8x8x128xi32> to vector<8x8xi32>
    %broadcast_in_dim3A_339 = vector.shape_cast %reduce_min3A_338 : vector<8x8xi32> to vector<8x8x1xi32>
    %reduce_min3A_340 = arith.constant dense<2147483647> : vector<8x1xi32>
    %reduce_min3A_341 = vector.multi_reduction <minsi>, %broadcast_in_dim3A_339, %reduce_min3A_340 [1] : vector<8x8x1xi32> to vector<8x1xi32>
    %broadcast_in_dim3A_342 = vector.shape_cast %reduce_min3A_341 : vector<8x1xi32> to vector<8x1x1xi32>
    %eq3A_343 = arith.constant 4 : i32
    %eq3A_344 = vector.broadcast %eq3A_343 : i32 to vector<8x128xi32>
    %eq3A_345 = arith.cmpi eq, %iota3A_3, %eq3A_344 : vector<8x128xi32>
    %squeeze3A_346 = vector.shape_cast %broadcast_in_dim3A_331 : vector<8x1x1xf32> to vector<8x1xf32>
    %broadcast_in_dim3A_347 = vector.shape_cast %squeeze3A_346 : vector<8x1xf32> to vector<8x1xf32>
    %broadcast_in_dim3A_348 = vector.broadcast %broadcast_in_dim3A_347 : vector<8x1xf32> to vector<8x128xf32>
    %select_n3A_349 = arith.select %eq3A_345, %broadcast_in_dim3A_348, %select_n3A_310 : vector<8x128xi1>, vector<8x128xf32>
    %eq3A_350 = arith.constant 4 : i32
    %eq3A_351 = vector.broadcast %eq3A_350 : i32 to vector<8x128xi32>
    %eq3A_352 = arith.cmpi eq, %iota3A_3, %eq3A_351 : vector<8x128xi32>
    %squeeze3A_353 = vector.shape_cast %broadcast_in_dim3A_342 : vector<8x1x1xi32> to vector<8x1xi32>
    %broadcast_in_dim3A_354 = vector.shape_cast %squeeze3A_353 : vector<8x1xi32> to vector<8x1xi32>
    %broadcast_in_dim3A_355 = vector.broadcast %broadcast_in_dim3A_354 : vector<8x1xi32> to vector<8x128xi32>
    %select_n3A_356 = arith.select %eq3A_352, %broadcast_in_dim3A_355, %select_n3A_317 : vector<8x128xi1>, vector<8x128xi32>
    %eq3A_357 = vector.broadcast %broadcast_in_dim3A_331 : vector<8x1x1xf32> to vector<8x8x128xf32>
    %eq3A_358 = arith.cmpf oeq, %select_n3A_325, %eq3A_357 : vector<8x8x128xf32>
    %eq3A_359 = vector.broadcast %broadcast_in_dim3A_342 : vector<8x1x1xi32> to vector<8x8x128xi32>
    %eq3A_360 = arith.cmpi eq, %concatenate3A_167, %eq3A_359 : vector<8x8x128xi32>
    %and3A_361 = arith.andi %eq3A_358, %eq3A_360 : vector<8x8x128xi1>
    %jit3A_362 = arith.constant -1.000000e+30 : f32
    %broadcast_in_dim3A_363 = vector.broadcast %jit3A_362 : f32 to vector<8x8x128xf32>
    %select_n3A_364 = arith.select %and3A_361, %broadcast_in_dim3A_363, %select_n3A_325 : vector<8x8x128xi1>, vector<8x8x128xf32>
    %reduce_max3A_365 = arith.constant dense<0xFF800000> : vector<8x8xf32>
    %reduce_max3A_366 = vector.multi_reduction <maximumf>, %select_n3A_364, %reduce_max3A_365 [2] : vector<8x8x128xf32> to vector<8x8xf32>
    %broadcast_in_dim3A_367 = vector.shape_cast %reduce_max3A_366 : vector<8x8xf32> to vector<8x8x1xf32>
    %reduce_max3A_368 = arith.constant dense<0xFF800000> : vector<8x1xf32>
    %reduce_max3A_369 = vector.multi_reduction <maximumf>, %broadcast_in_dim3A_367, %reduce_max3A_368 [1] : vector<8x8x1xf32> to vector<8x1xf32>
    %broadcast_in_dim3A_370 = vector.shape_cast %reduce_max3A_369 : vector<8x1xf32> to vector<8x1x1xf32>
    %eq3A_371 = vector.broadcast %broadcast_in_dim3A_370 : vector<8x1x1xf32> to vector<8x8x128xf32>
    %eq3A_372 = arith.cmpf oeq, %select_n3A_364, %eq3A_371 : vector<8x8x128xf32>
    %jit3A_373 = arith.constant 1073741824 : i32
    %broadcast_in_dim3A_374 = vector.broadcast %jit3A_373 : i32 to vector<8x8x128xi32>
    %select_n3A_375 = arith.select %eq3A_372, %concatenate3A_167, %broadcast_in_dim3A_374 : vector<8x8x128xi1>, vector<8x8x128xi32>
    %reduce_min3A_376 = arith.constant dense<2147483647> : vector<8x8xi32>
    %reduce_min3A_377 = vector.multi_reduction <minsi>, %select_n3A_375, %reduce_min3A_376 [2] : vector<8x8x128xi32> to vector<8x8xi32>
    %broadcast_in_dim3A_378 = vector.shape_cast %reduce_min3A_377 : vector<8x8xi32> to vector<8x8x1xi32>
    %reduce_min3A_379 = arith.constant dense<2147483647> : vector<8x1xi32>
    %reduce_min3A_380 = vector.multi_reduction <minsi>, %broadcast_in_dim3A_378, %reduce_min3A_379 [1] : vector<8x8x1xi32> to vector<8x1xi32>
    %broadcast_in_dim3A_381 = vector.shape_cast %reduce_min3A_380 : vector<8x1xi32> to vector<8x1x1xi32>
    %eq3A_382 = arith.constant 5 : i32
    %eq3A_383 = vector.broadcast %eq3A_382 : i32 to vector<8x128xi32>
    %eq3A_384 = arith.cmpi eq, %iota3A_3, %eq3A_383 : vector<8x128xi32>
    %squeeze3A_385 = vector.shape_cast %broadcast_in_dim3A_370 : vector<8x1x1xf32> to vector<8x1xf32>
    %broadcast_in_dim3A_386 = vector.shape_cast %squeeze3A_385 : vector<8x1xf32> to vector<8x1xf32>
    %broadcast_in_dim3A_387 = vector.broadcast %broadcast_in_dim3A_386 : vector<8x1xf32> to vector<8x128xf32>
    %select_n3A_388 = arith.select %eq3A_384, %broadcast_in_dim3A_387, %select_n3A_349 : vector<8x128xi1>, vector<8x128xf32>
    %eq3A_389 = arith.constant 5 : i32
    %eq3A_390 = vector.broadcast %eq3A_389 : i32 to vector<8x128xi32>
    %eq3A_391 = arith.cmpi eq, %iota3A_3, %eq3A_390 : vector<8x128xi32>
    %squeeze3A_392 = vector.shape_cast %broadcast_in_dim3A_381 : vector<8x1x1xi32> to vector<8x1xi32>
    %broadcast_in_dim3A_393 = vector.shape_cast %squeeze3A_392 : vector<8x1xi32> to vector<8x1xi32>
    %broadcast_in_dim3A_394 = vector.broadcast %broadcast_in_dim3A_393 : vector<8x1xi32> to vector<8x128xi32>
    %select_n3A_395 = arith.select %eq3A_391, %broadcast_in_dim3A_394, %select_n3A_356 : vector<8x128xi1>, vector<8x128xi32>
    %eq3A_396 = vector.broadcast %broadcast_in_dim3A_370 : vector<8x1x1xf32> to vector<8x8x128xf32>
    %eq3A_397 = arith.cmpf oeq, %select_n3A_364, %eq3A_396 : vector<8x8x128xf32>
    %eq3A_398 = vector.broadcast %broadcast_in_dim3A_381 : vector<8x1x1xi32> to vector<8x8x128xi32>
    %eq3A_399 = arith.cmpi eq, %concatenate3A_167, %eq3A_398 : vector<8x8x128xi32>
    %and3A_400 = arith.andi %eq3A_397, %eq3A_399 : vector<8x8x128xi1>
    %jit3A_401 = arith.constant -1.000000e+30 : f32
    %broadcast_in_dim3A_402 = vector.broadcast %jit3A_401 : f32 to vector<8x8x128xf32>
    %select_n3A_403 = arith.select %and3A_400, %broadcast_in_dim3A_402, %select_n3A_364 : vector<8x8x128xi1>, vector<8x8x128xf32>
    %reduce_max3A_404 = arith.constant dense<0xFF800000> : vector<8x8xf32>
    %reduce_max3A_405 = vector.multi_reduction <maximumf>, %select_n3A_403, %reduce_max3A_404 [2] : vector<8x8x128xf32> to vector<8x8xf32>
    %broadcast_in_dim3A_406 = vector.shape_cast %reduce_max3A_405 : vector<8x8xf32> to vector<8x8x1xf32>
    %reduce_max3A_407 = arith.constant dense<0xFF800000> : vector<8x1xf32>
    %reduce_max3A_408 = vector.multi_reduction <maximumf>, %broadcast_in_dim3A_406, %reduce_max3A_407 [1] : vector<8x8x1xf32> to vector<8x1xf32>
    %broadcast_in_dim3A_409 = vector.shape_cast %reduce_max3A_408 : vector<8x1xf32> to vector<8x1x1xf32>
    %eq3A_410 = vector.broadcast %broadcast_in_dim3A_409 : vector<8x1x1xf32> to vector<8x8x128xf32>
    %eq3A_411 = arith.cmpf oeq, %select_n3A_403, %eq3A_410 : vector<8x8x128xf32>
    %jit3A_412 = arith.constant 1073741824 : i32
    %broadcast_in_dim3A_413 = vector.broadcast %jit3A_412 : i32 to vector<8x8x128xi32>
    %select_n3A_414 = arith.select %eq3A_411, %concatenate3A_167, %broadcast_in_dim3A_413 : vector<8x8x128xi1>, vector<8x8x128xi32>
    %reduce_min3A_415 = arith.constant dense<2147483647> : vector<8x8xi32>
    %reduce_min3A_416 = vector.multi_reduction <minsi>, %select_n3A_414, %reduce_min3A_415 [2] : vector<8x8x128xi32> to vector<8x8xi32>
    %broadcast_in_dim3A_417 = vector.shape_cast %reduce_min3A_416 : vector<8x8xi32> to vector<8x8x1xi32>
    %reduce_min3A_418 = arith.constant dense<2147483647> : vector<8x1xi32>
    %reduce_min3A_419 = vector.multi_reduction <minsi>, %broadcast_in_dim3A_417, %reduce_min3A_418 [1] : vector<8x8x1xi32> to vector<8x1xi32>
    %broadcast_in_dim3A_420 = vector.shape_cast %reduce_min3A_419 : vector<8x1xi32> to vector<8x1x1xi32>
    %eq3A_421 = arith.constant 6 : i32
    %eq3A_422 = vector.broadcast %eq3A_421 : i32 to vector<8x128xi32>
    %eq3A_423 = arith.cmpi eq, %iota3A_3, %eq3A_422 : vector<8x128xi32>
    %squeeze3A_424 = vector.shape_cast %broadcast_in_dim3A_409 : vector<8x1x1xf32> to vector<8x1xf32>
    %broadcast_in_dim3A_425 = vector.shape_cast %squeeze3A_424 : vector<8x1xf32> to vector<8x1xf32>
    %broadcast_in_dim3A_426 = vector.broadcast %broadcast_in_dim3A_425 : vector<8x1xf32> to vector<8x128xf32>
    %select_n3A_427 = arith.select %eq3A_423, %broadcast_in_dim3A_426, %select_n3A_388 : vector<8x128xi1>, vector<8x128xf32>
    %eq3A_428 = arith.constant 6 : i32
    %eq3A_429 = vector.broadcast %eq3A_428 : i32 to vector<8x128xi32>
    %eq3A_430 = arith.cmpi eq, %iota3A_3, %eq3A_429 : vector<8x128xi32>
    %squeeze3A_431 = vector.shape_cast %broadcast_in_dim3A_420 : vector<8x1x1xi32> to vector<8x1xi32>
    %broadcast_in_dim3A_432 = vector.shape_cast %squeeze3A_431 : vector<8x1xi32> to vector<8x1xi32>
    %broadcast_in_dim3A_433 = vector.broadcast %broadcast_in_dim3A_432 : vector<8x1xi32> to vector<8x128xi32>
    %select_n3A_434 = arith.select %eq3A_430, %broadcast_in_dim3A_433, %select_n3A_395 : vector<8x128xi1>, vector<8x128xi32>
    %eq3A_435 = vector.broadcast %broadcast_in_dim3A_409 : vector<8x1x1xf32> to vector<8x8x128xf32>
    %eq3A_436 = arith.cmpf oeq, %select_n3A_403, %eq3A_435 : vector<8x8x128xf32>
    %eq3A_437 = vector.broadcast %broadcast_in_dim3A_420 : vector<8x1x1xi32> to vector<8x8x128xi32>
    %eq3A_438 = arith.cmpi eq, %concatenate3A_167, %eq3A_437 : vector<8x8x128xi32>
    %and3A_439 = arith.andi %eq3A_436, %eq3A_438 : vector<8x8x128xi1>
    %jit3A_440 = arith.constant -1.000000e+30 : f32
    %broadcast_in_dim3A_441 = vector.broadcast %jit3A_440 : f32 to vector<8x8x128xf32>
    %select_n3A_442 = arith.select %and3A_439, %broadcast_in_dim3A_441, %select_n3A_403 : vector<8x8x128xi1>, vector<8x8x128xf32>
    %reduce_max3A_443 = arith.constant dense<0xFF800000> : vector<8x8xf32>
    %reduce_max3A_444 = vector.multi_reduction <maximumf>, %select_n3A_442, %reduce_max3A_443 [2] : vector<8x8x128xf32> to vector<8x8xf32>
    %broadcast_in_dim3A_445 = vector.shape_cast %reduce_max3A_444 : vector<8x8xf32> to vector<8x8x1xf32>
    %reduce_max3A_446 = arith.constant dense<0xFF800000> : vector<8x1xf32>
    %reduce_max3A_447 = vector.multi_reduction <maximumf>, %broadcast_in_dim3A_445, %reduce_max3A_446 [1] : vector<8x8x1xf32> to vector<8x1xf32>
    %broadcast_in_dim3A_448 = vector.shape_cast %reduce_max3A_447 : vector<8x1xf32> to vector<8x1x1xf32>
    %eq3A_449 = vector.broadcast %broadcast_in_dim3A_448 : vector<8x1x1xf32> to vector<8x8x128xf32>
    %eq3A_450 = arith.cmpf oeq, %select_n3A_442, %eq3A_449 : vector<8x8x128xf32>
    %jit3A_451 = arith.constant 1073741824 : i32
    %broadcast_in_dim3A_452 = vector.broadcast %jit3A_451 : i32 to vector<8x8x128xi32>
    %select_n3A_453 = arith.select %eq3A_450, %concatenate3A_167, %broadcast_in_dim3A_452 : vector<8x8x128xi1>, vector<8x8x128xi32>
    %reduce_min3A_454 = arith.constant dense<2147483647> : vector<8x8xi32>
    %reduce_min3A_455 = vector.multi_reduction <minsi>, %select_n3A_453, %reduce_min3A_454 [2] : vector<8x8x128xi32> to vector<8x8xi32>
    %broadcast_in_dim3A_456 = vector.shape_cast %reduce_min3A_455 : vector<8x8xi32> to vector<8x8x1xi32>
    %reduce_min3A_457 = arith.constant dense<2147483647> : vector<8x1xi32>
    %reduce_min3A_458 = vector.multi_reduction <minsi>, %broadcast_in_dim3A_456, %reduce_min3A_457 [1] : vector<8x8x1xi32> to vector<8x1xi32>
    %broadcast_in_dim3A_459 = vector.shape_cast %reduce_min3A_458 : vector<8x1xi32> to vector<8x1x1xi32>
    %eq3A_460 = arith.constant 7 : i32
    %eq3A_461 = vector.broadcast %eq3A_460 : i32 to vector<8x128xi32>
    %eq3A_462 = arith.cmpi eq, %iota3A_3, %eq3A_461 : vector<8x128xi32>
    %squeeze3A_463 = vector.shape_cast %broadcast_in_dim3A_448 : vector<8x1x1xf32> to vector<8x1xf32>
    %broadcast_in_dim3A_464 = vector.shape_cast %squeeze3A_463 : vector<8x1xf32> to vector<8x1xf32>
    %broadcast_in_dim3A_465 = vector.broadcast %broadcast_in_dim3A_464 : vector<8x1xf32> to vector<8x128xf32>
    %select_n3A_466 = arith.select %eq3A_462, %broadcast_in_dim3A_465, %select_n3A_427 : vector<8x128xi1>, vector<8x128xf32>
    %eq3A_467 = arith.constant 7 : i32
    %eq3A_468 = vector.broadcast %eq3A_467 : i32 to vector<8x128xi32>
    %eq3A_469 = arith.cmpi eq, %iota3A_3, %eq3A_468 : vector<8x128xi32>
    %squeeze3A_470 = vector.shape_cast %broadcast_in_dim3A_459 : vector<8x1x1xi32> to vector<8x1xi32>
    %broadcast_in_dim3A_471 = vector.shape_cast %squeeze3A_470 : vector<8x1xi32> to vector<8x1xi32>
    %broadcast_in_dim3A_472 = vector.broadcast %broadcast_in_dim3A_471 : vector<8x1xi32> to vector<8x128xi32>
    %select_n3A_473 = arith.select %eq3A_469, %broadcast_in_dim3A_472, %select_n3A_434 : vector<8x128xi1>, vector<8x128xi32>
    %swap3A = arith.constant 0 : index
    %swap3A_474 = arith.constant 0 : index
    %swap3A_475 = vector.load %arg2[%swap3A, %swap3A_474] : memref<8x128xf32, #tpu.memory_space<vmem>>, vector<8x128xf32>
    tpu.vector_store %arg2[%swap3A, %swap3A_474], %select_n3A_466 {strides = array<i32>} : memref<8x128xf32, #tpu.memory_space<vmem>>, vector<8x128xf32>,
    %swap3A_476 = arith.constant 0 : index
    %swap3A_477 = arith.constant 0 : index
    %swap3A_478 = vector.load %arg3[%swap3A_476, %swap3A_477] : memref<8x128xi32, #tpu.memory_space<vmem>>, vector<8x128xi32>
    tpu.vector_store %arg3[%swap3A_476, %swap3A_477], %select_n3A_473 {strides = array<i32>} : memref<8x128xi32, #tpu.memory_space<vmem>>, vector<8x128xi32>,
    return
  }
  func.func @transform_0(%arg0: i32) -> (i32, i32) {
    %c0_i32 = arith.constant 0 : i32
    %c0_i32_0 = arith.constant 0 : i32
    return %arg0, %c0_i32 : i32, i32
  }
  func.func @transform_1(%arg0: i32) -> (i32, i32) {
    %c0_i32 = arith.constant 0 : i32
    %c0_i32_0 = arith.constant 0 : i32
    return %arg0, %c0_i32 : i32, i32
  }
  func.func @transform_2(%arg0: i32) -> (i32, i32) {
    %c0_i32 = arith.constant 0 : i32
    %c0_i32_0 = arith.constant 0 : i32
    return %arg0, %c0_i32 : i32, i32
  }
}

module attributes {stable_mosaic.version = 14 : i64} {
  func.func @_merge_body(%arg0: i32, %arg1: memref<128x2048xf32, #tpu.memory_space<vmem>>, %arg2: memref<128x2048xf32, #tpu.memory_space<vmem>>, %arg3: memref<128x2048xi32, #tpu.memory_space<vmem>>, %arg4: memref<128x128xf32, #tpu.memory_space<vmem>>, %arg5: memref<128x128xf32, #tpu.memory_space<vmem>>, %arg6: memref<128x128xi32, #tpu.memory_space<vmem>>, %arg7: memref<128x128xf32, #tpu.memory_space<vmem>>, %arg8: memref<128x128xi32, #tpu.memory_space<vmem>>) attributes {dimension_semantics = [#tpu.dimension_semantics<arbitrary>], iteration_bounds = array<i64: 1>, scalar_prefetch = 0 : i64, scratch_operands = 0 : i64, tpu.core_type = #tpu.core_type<tc>, window_params = [{pipeline_mode = #tpu.pipeline_mode<synchronous>, transform_indices = @transform_0, window_bounds = array<i64: 128, 2048>}, {pipeline_mode = #tpu.pipeline_mode<synchronous>, transform_indices = @transform_1, window_bounds = array<i64: 128, 2048>}, {pipeline_mode = #tpu.pipeline_mode<synchronous>, transform_indices = @transform_2, window_bounds = array<i64: 128, 2048>}, {pipeline_mode = #tpu.pipeline_mode<synchronous>, transform_indices = @transform_3, window_bounds = array<i64: 128, 128>}, {pipeline_mode = #tpu.pipeline_mode<synchronous>, transform_indices = @transform_4, window_bounds = array<i64: 128, 128>}, {pipeline_mode = #tpu.pipeline_mode<synchronous>, transform_indices = @transform_5, window_bounds = array<i64: 128, 128>}, {pipeline_mode = #tpu.pipeline_mode<synchronous>, transform_indices = @transform_6, window_bounds = array<i64: 128, 128>}, {pipeline_mode = #tpu.pipeline_mode<synchronous>, transform_indices = @transform_7, window_bounds = array<i64: 128, 128>}]} {
    %get3A = arith.constant 0 : index
    %get3A_0 = arith.constant 0 : index
    %get3A_1 = vector.load %arg4[%get3A, %get3A_0] : memref<128x128xf32, #tpu.memory_space<vmem>>, vector<128x128xf32>
    %slice3A = vector.extract_strided_slice %get3A_1 {offsets = [0, 0], sizes = [128, 1], strides = [1, 1]} : vector<128x128xf32> to vector<128x1xf32>
    %get3A_2 = arith.constant 0 : index
    %get3A_3 = arith.constant 0 : index
    %get3A_4 = vector.load %arg1[%get3A_2, %get3A_3] : memref<128x2048xf32, #tpu.memory_space<vmem>>, vector<128x2048xf32>
    %get3A_5 = arith.constant 0 : index
    %get3A_6 = arith.constant 0 : index
    %get3A_7 = vector.load %arg3[%get3A_5, %get3A_6] : memref<128x2048xi32, #tpu.memory_space<vmem>>, vector<128x2048xi32>
    %lt3A = arith.constant 50000 : i32
    %lt3A_8 = vector.broadcast %lt3A : i32 to vector<128x2048xi32>
    %lt3A_9 = arith.cmpi slt, %get3A_7, %lt3A_8 : vector<128x2048xi32>
    %get3A_10 = arith.constant 0 : index
    %get3A_11 = arith.constant 0 : index
    %get3A_12 = vector.load %arg2[%get3A_10, %get3A_11] : memref<128x2048xf32, #tpu.memory_space<vmem>>, vector<128x2048xf32>
    %jit3A = arith.constant 0.000000e+00 : f32
    %broadcast_in_dim3A = vector.broadcast %jit3A : f32 to vector<128x2048xf32>
    %select_n3A = arith.select %lt3A_9, %get3A_12, %broadcast_in_dim3A : vector<128x2048xi1>, vector<128x2048xf32>
    %sub3A = arith.constant 1.000000e+00 : f32
    %sub3A_13 = vector.broadcast %sub3A : f32 to vector<128x1xf32>
    %sub3A_14 = arith.subf %sub3A_13, %slice3A : vector<128x1xf32>
    %mul3A = vector.broadcast %sub3A_14 : vector<128x1xf32> to vector<128x2048xf32>
    %mul3A_15 = arith.mulf %mul3A, %get3A_4 : vector<128x2048xf32>
    %mul3A_16 = vector.broadcast %slice3A : vector<128x1xf32> to vector<128x2048xf32>
    %mul3A_17 = arith.mulf %mul3A_16, %select_n3A : vector<128x2048xf32>
    %add3A = arith.addf %mul3A_15, %mul3A_17 : vector<128x2048xf32>
    %get3A_18 = arith.constant 0 : index
    %get3A_19 = arith.constant 0 : index
    %get3A_20 = vector.load %arg5[%get3A_18, %get3A_19] : memref<128x128xf32, #tpu.memory_space<vmem>>, vector<128x128xf32>
    %mul3A_21 = vector.broadcast %slice3A : vector<128x1xf32> to vector<128x128xf32>
    %mul3A_22 = arith.mulf %mul3A_21, %get3A_20 : vector<128x128xf32>
    %reshape3A = vector.shape_cast %add3A : vector<128x2048xf32> to vector<128x16x128xf32>
    %broadcast_in_dim3A_23 = vector.shape_cast %mul3A_22 : vector<128x128xf32> to vector<128x1x128xf32>
    %concatenate3A = tpu.concatenate %reshape3A, %broadcast_in_dim3A_23 in 1 : vector<128x16x128xf32>, vector<128x1x128xf32> -> vector<128x17x128xf32>
    %reshape3A_24 = vector.shape_cast %get3A_7 : vector<128x2048xi32> to vector<128x16x128xi32>
    %get3A_25 = arith.constant 0 : index
    %get3A_26 = arith.constant 0 : index
    %get3A_27 = vector.load %arg6[%get3A_25, %get3A_26] : memref<128x128xi32, #tpu.memory_space<vmem>>, vector<128x128xi32>
    %broadcast_in_dim3A_28 = vector.shape_cast %get3A_27 : vector<128x128xi32> to vector<128x1x128xi32>
    %concatenate3A_29 = tpu.concatenate %reshape3A_24, %broadcast_in_dim3A_28 in 1 : vector<128x16x128xi32>, vector<128x1x128xi32> -> vector<128x17x128xi32>
    %iota3A = tpu.iota {dimensions = array<i32: 1>} : vector<128x128xi32>
    %broadcast_in_dim3A_30 = arith.constant 0.000000e+00 : f32
    %broadcast_in_dim3A_31 = vector.broadcast %broadcast_in_dim3A_30 : f32 to vector<128x128xf32>
    %broadcast_in_dim3A_32 = arith.constant 0 : i32
    %broadcast_in_dim3A_33 = vector.broadcast %broadcast_in_dim3A_32 : i32 to vector<128x128xi32>
    %reduce_max3A = arith.constant dense<0xFF800000> : vector<128x17xf32>
    %reduce_max3A_34 = vector.multi_reduction <maximumf>, %concatenate3A, %reduce_max3A [2] : vector<128x17x128xf32> to vector<128x17xf32>
    %broadcast_in_dim3A_35 = vector.shape_cast %reduce_max3A_34 : vector<128x17xf32> to vector<128x17x1xf32>
    %reduce_max3A_36 = arith.constant dense<0xFF800000> : vector<128x1xf32>
    %reduce_max3A_37 = vector.multi_reduction <maximumf>, %broadcast_in_dim3A_35, %reduce_max3A_36 [1] : vector<128x17x1xf32> to vector<128x1xf32>
    %broadcast_in_dim3A_38 = vector.shape_cast %reduce_max3A_37 : vector<128x1xf32> to vector<128x1x1xf32>
    %eq3A = vector.broadcast %broadcast_in_dim3A_38 : vector<128x1x1xf32> to vector<128x17x128xf32>
    %eq3A_39 = arith.cmpf oeq, %concatenate3A, %eq3A : vector<128x17x128xf32>
    %jit3A_40 = arith.constant 1073741824 : i32
    %broadcast_in_dim3A_41 = vector.broadcast %jit3A_40 : i32 to vector<128x17x128xi32>
    %select_n3A_42 = arith.select %eq3A_39, %concatenate3A_29, %broadcast_in_dim3A_41 : vector<128x17x128xi1>, vector<128x17x128xi32>
    %reduce_min3A = arith.constant dense<2147483647> : vector<128x17xi32>
    %reduce_min3A_43 = vector.multi_reduction <minsi>, %select_n3A_42, %reduce_min3A [2] : vector<128x17x128xi32> to vector<128x17xi32>
    %broadcast_in_dim3A_44 = vector.shape_cast %reduce_min3A_43 : vector<128x17xi32> to vector<128x17x1xi32>
    %reduce_min3A_45 = arith.constant dense<2147483647> : vector<128x1xi32>
    %reduce_min3A_46 = vector.multi_reduction <minsi>, %broadcast_in_dim3A_44, %reduce_min3A_45 [1] : vector<128x17x1xi32> to vector<128x1xi32>
    %broadcast_in_dim3A_47 = vector.shape_cast %reduce_min3A_46 : vector<128x1xi32> to vector<128x1x1xi32>
    %eq3A_48 = arith.constant 0 : i32
    %eq3A_49 = vector.broadcast %eq3A_48 : i32 to vector<128x128xi32>
    %eq3A_50 = arith.cmpi eq, %iota3A, %eq3A_49 : vector<128x128xi32>
    %squeeze3A = vector.shape_cast %broadcast_in_dim3A_38 : vector<128x1x1xf32> to vector<128x1xf32>
    %add3A_51 = arith.constant 1.000000e-10 : f32
    %add3A_52 = vector.broadcast %add3A_51 : f32 to vector<128x1xf32>
    %add3A_53 = arith.addf %squeeze3A, %add3A_52 : vector<128x1xf32>
    %log3A = math.log %add3A_53 : vector<128x1xf32>
    %broadcast_in_dim3A_54 = vector.shape_cast %log3A : vector<128x1xf32> to vector<128x1xf32>
    %broadcast_in_dim3A_55 = vector.broadcast %broadcast_in_dim3A_54 : vector<128x1xf32> to vector<128x128xf32>
    %select_n3A_56 = arith.select %eq3A_50, %broadcast_in_dim3A_55, %broadcast_in_dim3A_31 : vector<128x128xi1>, vector<128x128xf32>
    %eq3A_57 = arith.constant 0 : i32
    %eq3A_58 = vector.broadcast %eq3A_57 : i32 to vector<128x128xi32>
    %eq3A_59 = arith.cmpi eq, %iota3A, %eq3A_58 : vector<128x128xi32>
    %squeeze3A_60 = vector.shape_cast %broadcast_in_dim3A_47 : vector<128x1x1xi32> to vector<128x1xi32>
    %broadcast_in_dim3A_61 = vector.shape_cast %squeeze3A_60 : vector<128x1xi32> to vector<128x1xi32>
    %broadcast_in_dim3A_62 = vector.broadcast %broadcast_in_dim3A_61 : vector<128x1xi32> to vector<128x128xi32>
    %select_n3A_63 = arith.select %eq3A_59, %broadcast_in_dim3A_62, %broadcast_in_dim3A_33 : vector<128x128xi1>, vector<128x128xi32>
    %eq3A_64 = vector.broadcast %broadcast_in_dim3A_47 : vector<128x1x1xi32> to vector<128x17x128xi32>
    %eq3A_65 = arith.cmpi eq, %concatenate3A_29, %eq3A_64 : vector<128x17x128xi32>
    %jit3A_66 = arith.constant -1.000000e+30 : f32
    %broadcast_in_dim3A_67 = vector.broadcast %jit3A_66 : f32 to vector<128x17x128xf32>
    %select_n3A_68 = arith.select %eq3A_65, %broadcast_in_dim3A_67, %concatenate3A : vector<128x17x128xi1>, vector<128x17x128xf32>
    %reduce_max3A_69 = arith.constant dense<0xFF800000> : vector<128x17xf32>
    %reduce_max3A_70 = vector.multi_reduction <maximumf>, %select_n3A_68, %reduce_max3A_69 [2] : vector<128x17x128xf32> to vector<128x17xf32>
    %broadcast_in_dim3A_71 = vector.shape_cast %reduce_max3A_70 : vector<128x17xf32> to vector<128x17x1xf32>
    %reduce_max3A_72 = arith.constant dense<0xFF800000> : vector<128x1xf32>
    %reduce_max3A_73 = vector.multi_reduction <maximumf>, %broadcast_in_dim3A_71, %reduce_max3A_72 [1] : vector<128x17x1xf32> to vector<128x1xf32>
    %broadcast_in_dim3A_74 = vector.shape_cast %reduce_max3A_73 : vector<128x1xf32> to vector<128x1x1xf32>
    %eq3A_75 = vector.broadcast %broadcast_in_dim3A_74 : vector<128x1x1xf32> to vector<128x17x128xf32>
    %eq3A_76 = arith.cmpf oeq, %select_n3A_68, %eq3A_75 : vector<128x17x128xf32>
    %jit3A_77 = arith.constant 1073741824 : i32
    %broadcast_in_dim3A_78 = vector.broadcast %jit3A_77 : i32 to vector<128x17x128xi32>
    %select_n3A_79 = arith.select %eq3A_76, %concatenate3A_29, %broadcast_in_dim3A_78 : vector<128x17x128xi1>, vector<128x17x128xi32>
    %reduce_min3A_80 = arith.constant dense<2147483647> : vector<128x17xi32>
    %reduce_min3A_81 = vector.multi_reduction <minsi>, %select_n3A_79, %reduce_min3A_80 [2] : vector<128x17x128xi32> to vector<128x17xi32>
    %broadcast_in_dim3A_82 = vector.shape_cast %reduce_min3A_81 : vector<128x17xi32> to vector<128x17x1xi32>
    %reduce_min3A_83 = arith.constant dense<2147483647> : vector<128x1xi32>
    %reduce_min3A_84 = vector.multi_reduction <minsi>, %broadcast_in_dim3A_82, %reduce_min3A_83 [1] : vector<128x17x1xi32> to vector<128x1xi32>
    %broadcast_in_dim3A_85 = vector.shape_cast %reduce_min3A_84 : vector<128x1xi32> to vector<128x1x1xi32>
    %eq3A_86 = arith.constant 1 : i32
    %eq3A_87 = vector.broadcast %eq3A_86 : i32 to vector<128x128xi32>
    %eq3A_88 = arith.cmpi eq, %iota3A, %eq3A_87 : vector<128x128xi32>
    %squeeze3A_89 = vector.shape_cast %broadcast_in_dim3A_74 : vector<128x1x1xf32> to vector<128x1xf32>
    %add3A_90 = arith.constant 1.000000e-10 : f32
    %add3A_91 = vector.broadcast %add3A_90 : f32 to vector<128x1xf32>
    %add3A_92 = arith.addf %squeeze3A_89, %add3A_91 : vector<128x1xf32>
    %log3A_93 = math.log %add3A_92 : vector<128x1xf32>
    %broadcast_in_dim3A_94 = vector.shape_cast %log3A_93 : vector<128x1xf32> to vector<128x1xf32>
    %broadcast_in_dim3A_95 = vector.broadcast %broadcast_in_dim3A_94 : vector<128x1xf32> to vector<128x128xf32>
    %select_n3A_96 = arith.select %eq3A_88, %broadcast_in_dim3A_95, %select_n3A_56 : vector<128x128xi1>, vector<128x128xf32>
    %eq3A_97 = arith.constant 1 : i32
    %eq3A_98 = vector.broadcast %eq3A_97 : i32 to vector<128x128xi32>
    %eq3A_99 = arith.cmpi eq, %iota3A, %eq3A_98 : vector<128x128xi32>
    %squeeze3A_100 = vector.shape_cast %broadcast_in_dim3A_85 : vector<128x1x1xi32> to vector<128x1xi32>
    %broadcast_in_dim3A_101 = vector.shape_cast %squeeze3A_100 : vector<128x1xi32> to vector<128x1xi32>
    %broadcast_in_dim3A_102 = vector.broadcast %broadcast_in_dim3A_101 : vector<128x1xi32> to vector<128x128xi32>
    %select_n3A_103 = arith.select %eq3A_99, %broadcast_in_dim3A_102, %select_n3A_63 : vector<128x128xi1>, vector<128x128xi32>
    %eq3A_104 = vector.broadcast %broadcast_in_dim3A_85 : vector<128x1x1xi32> to vector<128x17x128xi32>
    %eq3A_105 = arith.cmpi eq, %concatenate3A_29, %eq3A_104 : vector<128x17x128xi32>
    %jit3A_106 = arith.constant -1.000000e+30 : f32
    %broadcast_in_dim3A_107 = vector.broadcast %jit3A_106 : f32 to vector<128x17x128xf32>
    %select_n3A_108 = arith.select %eq3A_105, %broadcast_in_dim3A_107, %select_n3A_68 : vector<128x17x128xi1>, vector<128x17x128xf32>
    %reduce_max3A_109 = arith.constant dense<0xFF800000> : vector<128x17xf32>
    %reduce_max3A_110 = vector.multi_reduction <maximumf>, %select_n3A_108, %reduce_max3A_109 [2] : vector<128x17x128xf32> to vector<128x17xf32>
    %broadcast_in_dim3A_111 = vector.shape_cast %reduce_max3A_110 : vector<128x17xf32> to vector<128x17x1xf32>
    %reduce_max3A_112 = arith.constant dense<0xFF800000> : vector<128x1xf32>
    %reduce_max3A_113 = vector.multi_reduction <maximumf>, %broadcast_in_dim3A_111, %reduce_max3A_112 [1] : vector<128x17x1xf32> to vector<128x1xf32>
    %broadcast_in_dim3A_114 = vector.shape_cast %reduce_max3A_113 : vector<128x1xf32> to vector<128x1x1xf32>
    %eq3A_115 = vector.broadcast %broadcast_in_dim3A_114 : vector<128x1x1xf32> to vector<128x17x128xf32>
    %eq3A_116 = arith.cmpf oeq, %select_n3A_108, %eq3A_115 : vector<128x17x128xf32>
    %jit3A_117 = arith.constant 1073741824 : i32
    %broadcast_in_dim3A_118 = vector.broadcast %jit3A_117 : i32 to vector<128x17x128xi32>
    %select_n3A_119 = arith.select %eq3A_116, %concatenate3A_29, %broadcast_in_dim3A_118 : vector<128x17x128xi1>, vector<128x17x128xi32>
    %reduce_min3A_120 = arith.constant dense<2147483647> : vector<128x17xi32>
    %reduce_min3A_121 = vector.multi_reduction <minsi>, %select_n3A_119, %reduce_min3A_120 [2] : vector<128x17x128xi32> to vector<128x17xi32>
    %broadcast_in_dim3A_122 = vector.shape_cast %reduce_min3A_121 : vector<128x17xi32> to vector<128x17x1xi32>
    %reduce_min3A_123 = arith.constant dense<2147483647> : vector<128x1xi32>
    %reduce_min3A_124 = vector.multi_reduction <minsi>, %broadcast_in_dim3A_122, %reduce_min3A_123 [1] : vector<128x17x1xi32> to vector<128x1xi32>
    %broadcast_in_dim3A_125 = vector.shape_cast %reduce_min3A_124 : vector<128x1xi32> to vector<128x1x1xi32>
    %eq3A_126 = arith.constant 2 : i32
    %eq3A_127 = vector.broadcast %eq3A_126 : i32 to vector<128x128xi32>
    %eq3A_128 = arith.cmpi eq, %iota3A, %eq3A_127 : vector<128x128xi32>
    %squeeze3A_129 = vector.shape_cast %broadcast_in_dim3A_114 : vector<128x1x1xf32> to vector<128x1xf32>
    %add3A_130 = arith.constant 1.000000e-10 : f32
    %add3A_131 = vector.broadcast %add3A_130 : f32 to vector<128x1xf32>
    %add3A_132 = arith.addf %squeeze3A_129, %add3A_131 : vector<128x1xf32>
    %log3A_133 = math.log %add3A_132 : vector<128x1xf32>
    %broadcast_in_dim3A_134 = vector.shape_cast %log3A_133 : vector<128x1xf32> to vector<128x1xf32>
    %broadcast_in_dim3A_135 = vector.broadcast %broadcast_in_dim3A_134 : vector<128x1xf32> to vector<128x128xf32>
    %select_n3A_136 = arith.select %eq3A_128, %broadcast_in_dim3A_135, %select_n3A_96 : vector<128x128xi1>, vector<128x128xf32>
    %eq3A_137 = arith.constant 2 : i32
    %eq3A_138 = vector.broadcast %eq3A_137 : i32 to vector<128x128xi32>
    %eq3A_139 = arith.cmpi eq, %iota3A, %eq3A_138 : vector<128x128xi32>
    %squeeze3A_140 = vector.shape_cast %broadcast_in_dim3A_125 : vector<128x1x1xi32> to vector<128x1xi32>
    %broadcast_in_dim3A_141 = vector.shape_cast %squeeze3A_140 : vector<128x1xi32> to vector<128x1xi32>
    %broadcast_in_dim3A_142 = vector.broadcast %broadcast_in_dim3A_141 : vector<128x1xi32> to vector<128x128xi32>
    %select_n3A_143 = arith.select %eq3A_139, %broadcast_in_dim3A_142, %select_n3A_103 : vector<128x128xi1>, vector<128x128xi32>
    %eq3A_144 = vector.broadcast %broadcast_in_dim3A_125 : vector<128x1x1xi32> to vector<128x17x128xi32>
    %eq3A_145 = arith.cmpi eq, %concatenate3A_29, %eq3A_144 : vector<128x17x128xi32>
    %jit3A_146 = arith.constant -1.000000e+30 : f32
    %broadcast_in_dim3A_147 = vector.broadcast %jit3A_146 : f32 to vector<128x17x128xf32>
    %select_n3A_148 = arith.select %eq3A_145, %broadcast_in_dim3A_147, %select_n3A_108 : vector<128x17x128xi1>, vector<128x17x128xf32>
    %reduce_max3A_149 = arith.constant dense<0xFF800000> : vector<128x17xf32>
    %reduce_max3A_150 = vector.multi_reduction <maximumf>, %select_n3A_148, %reduce_max3A_149 [2] : vector<128x17x128xf32> to vector<128x17xf32>
    %broadcast_in_dim3A_151 = vector.shape_cast %reduce_max3A_150 : vector<128x17xf32> to vector<128x17x1xf32>
    %reduce_max3A_152 = arith.constant dense<0xFF800000> : vector<128x1xf32>
    %reduce_max3A_153 = vector.multi_reduction <maximumf>, %broadcast_in_dim3A_151, %reduce_max3A_152 [1] : vector<128x17x1xf32> to vector<128x1xf32>
    %broadcast_in_dim3A_154 = vector.shape_cast %reduce_max3A_153 : vector<128x1xf32> to vector<128x1x1xf32>
    %eq3A_155 = vector.broadcast %broadcast_in_dim3A_154 : vector<128x1x1xf32> to vector<128x17x128xf32>
    %eq3A_156 = arith.cmpf oeq, %select_n3A_148, %eq3A_155 : vector<128x17x128xf32>
    %jit3A_157 = arith.constant 1073741824 : i32
    %broadcast_in_dim3A_158 = vector.broadcast %jit3A_157 : i32 to vector<128x17x128xi32>
    %select_n3A_159 = arith.select %eq3A_156, %concatenate3A_29, %broadcast_in_dim3A_158 : vector<128x17x128xi1>, vector<128x17x128xi32>
    %reduce_min3A_160 = arith.constant dense<2147483647> : vector<128x17xi32>
    %reduce_min3A_161 = vector.multi_reduction <minsi>, %select_n3A_159, %reduce_min3A_160 [2] : vector<128x17x128xi32> to vector<128x17xi32>
    %broadcast_in_dim3A_162 = vector.shape_cast %reduce_min3A_161 : vector<128x17xi32> to vector<128x17x1xi32>
    %reduce_min3A_163 = arith.constant dense<2147483647> : vector<128x1xi32>
    %reduce_min3A_164 = vector.multi_reduction <minsi>, %broadcast_in_dim3A_162, %reduce_min3A_163 [1] : vector<128x17x1xi32> to vector<128x1xi32>
    %broadcast_in_dim3A_165 = vector.shape_cast %reduce_min3A_164 : vector<128x1xi32> to vector<128x1x1xi32>
    %eq3A_166 = arith.constant 3 : i32
    %eq3A_167 = vector.broadcast %eq3A_166 : i32 to vector<128x128xi32>
    %eq3A_168 = arith.cmpi eq, %iota3A, %eq3A_167 : vector<128x128xi32>
    %squeeze3A_169 = vector.shape_cast %broadcast_in_dim3A_154 : vector<128x1x1xf32> to vector<128x1xf32>
    %add3A_170 = arith.constant 1.000000e-10 : f32
    %add3A_171 = vector.broadcast %add3A_170 : f32 to vector<128x1xf32>
    %add3A_172 = arith.addf %squeeze3A_169, %add3A_171 : vector<128x1xf32>
    %log3A_173 = math.log %add3A_172 : vector<128x1xf32>
    %broadcast_in_dim3A_174 = vector.shape_cast %log3A_173 : vector<128x1xf32> to vector<128x1xf32>
    %broadcast_in_dim3A_175 = vector.broadcast %broadcast_in_dim3A_174 : vector<128x1xf32> to vector<128x128xf32>
    %select_n3A_176 = arith.select %eq3A_168, %broadcast_in_dim3A_175, %select_n3A_136 : vector<128x128xi1>, vector<128x128xf32>
    %eq3A_177 = arith.constant 3 : i32
    %eq3A_178 = vector.broadcast %eq3A_177 : i32 to vector<128x128xi32>
    %eq3A_179 = arith.cmpi eq, %iota3A, %eq3A_178 : vector<128x128xi32>
    %squeeze3A_180 = vector.shape_cast %broadcast_in_dim3A_165 : vector<128x1x1xi32> to vector<128x1xi32>
    %broadcast_in_dim3A_181 = vector.shape_cast %squeeze3A_180 : vector<128x1xi32> to vector<128x1xi32>
    %broadcast_in_dim3A_182 = vector.broadcast %broadcast_in_dim3A_181 : vector<128x1xi32> to vector<128x128xi32>
    %select_n3A_183 = arith.select %eq3A_179, %broadcast_in_dim3A_182, %select_n3A_143 : vector<128x128xi1>, vector<128x128xi32>
    %eq3A_184 = vector.broadcast %broadcast_in_dim3A_165 : vector<128x1x1xi32> to vector<128x17x128xi32>
    %eq3A_185 = arith.cmpi eq, %concatenate3A_29, %eq3A_184 : vector<128x17x128xi32>
    %jit3A_186 = arith.constant -1.000000e+30 : f32
    %broadcast_in_dim3A_187 = vector.broadcast %jit3A_186 : f32 to vector<128x17x128xf32>
    %select_n3A_188 = arith.select %eq3A_185, %broadcast_in_dim3A_187, %select_n3A_148 : vector<128x17x128xi1>, vector<128x17x128xf32>
    %reduce_max3A_189 = arith.constant dense<0xFF800000> : vector<128x17xf32>
    %reduce_max3A_190 = vector.multi_reduction <maximumf>, %select_n3A_188, %reduce_max3A_189 [2] : vector<128x17x128xf32> to vector<128x17xf32>
    %broadcast_in_dim3A_191 = vector.shape_cast %reduce_max3A_190 : vector<128x17xf32> to vector<128x17x1xf32>
    %reduce_max3A_192 = arith.constant dense<0xFF800000> : vector<128x1xf32>
    %reduce_max3A_193 = vector.multi_reduction <maximumf>, %broadcast_in_dim3A_191, %reduce_max3A_192 [1] : vector<128x17x1xf32> to vector<128x1xf32>
    %broadcast_in_dim3A_194 = vector.shape_cast %reduce_max3A_193 : vector<128x1xf32> to vector<128x1x1xf32>
    %eq3A_195 = vector.broadcast %broadcast_in_dim3A_194 : vector<128x1x1xf32> to vector<128x17x128xf32>
    %eq3A_196 = arith.cmpf oeq, %select_n3A_188, %eq3A_195 : vector<128x17x128xf32>
    %jit3A_197 = arith.constant 1073741824 : i32
    %broadcast_in_dim3A_198 = vector.broadcast %jit3A_197 : i32 to vector<128x17x128xi32>
    %select_n3A_199 = arith.select %eq3A_196, %concatenate3A_29, %broadcast_in_dim3A_198 : vector<128x17x128xi1>, vector<128x17x128xi32>
    %reduce_min3A_200 = arith.constant dense<2147483647> : vector<128x17xi32>
    %reduce_min3A_201 = vector.multi_reduction <minsi>, %select_n3A_199, %reduce_min3A_200 [2] : vector<128x17x128xi32> to vector<128x17xi32>
    %broadcast_in_dim3A_202 = vector.shape_cast %reduce_min3A_201 : vector<128x17xi32> to vector<128x17x1xi32>
    %reduce_min3A_203 = arith.constant dense<2147483647> : vector<128x1xi32>
    %reduce_min3A_204 = vector.multi_reduction <minsi>, %broadcast_in_dim3A_202, %reduce_min3A_203 [1] : vector<128x17x1xi32> to vector<128x1xi32>
    %broadcast_in_dim3A_205 = vector.shape_cast %reduce_min3A_204 : vector<128x1xi32> to vector<128x1x1xi32>
    %eq3A_206 = arith.constant 4 : i32
    %eq3A_207 = vector.broadcast %eq3A_206 : i32 to vector<128x128xi32>
    %eq3A_208 = arith.cmpi eq, %iota3A, %eq3A_207 : vector<128x128xi32>
    %squeeze3A_209 = vector.shape_cast %broadcast_in_dim3A_194 : vector<128x1x1xf32> to vector<128x1xf32>
    %add3A_210 = arith.constant 1.000000e-10 : f32
    %add3A_211 = vector.broadcast %add3A_210 : f32 to vector<128x1xf32>
    %add3A_212 = arith.addf %squeeze3A_209, %add3A_211 : vector<128x1xf32>
    %log3A_213 = math.log %add3A_212 : vector<128x1xf32>
    %broadcast_in_dim3A_214 = vector.shape_cast %log3A_213 : vector<128x1xf32> to vector<128x1xf32>
    %broadcast_in_dim3A_215 = vector.broadcast %broadcast_in_dim3A_214 : vector<128x1xf32> to vector<128x128xf32>
    %select_n3A_216 = arith.select %eq3A_208, %broadcast_in_dim3A_215, %select_n3A_176 : vector<128x128xi1>, vector<128x128xf32>
    %eq3A_217 = arith.constant 4 : i32
    %eq3A_218 = vector.broadcast %eq3A_217 : i32 to vector<128x128xi32>
    %eq3A_219 = arith.cmpi eq, %iota3A, %eq3A_218 : vector<128x128xi32>
    %squeeze3A_220 = vector.shape_cast %broadcast_in_dim3A_205 : vector<128x1x1xi32> to vector<128x1xi32>
    %broadcast_in_dim3A_221 = vector.shape_cast %squeeze3A_220 : vector<128x1xi32> to vector<128x1xi32>
    %broadcast_in_dim3A_222 = vector.broadcast %broadcast_in_dim3A_221 : vector<128x1xi32> to vector<128x128xi32>
    %select_n3A_223 = arith.select %eq3A_219, %broadcast_in_dim3A_222, %select_n3A_183 : vector<128x128xi1>, vector<128x128xi32>
    %eq3A_224 = vector.broadcast %broadcast_in_dim3A_205 : vector<128x1x1xi32> to vector<128x17x128xi32>
    %eq3A_225 = arith.cmpi eq, %concatenate3A_29, %eq3A_224 : vector<128x17x128xi32>
    %jit3A_226 = arith.constant -1.000000e+30 : f32
    %broadcast_in_dim3A_227 = vector.broadcast %jit3A_226 : f32 to vector<128x17x128xf32>
    %select_n3A_228 = arith.select %eq3A_225, %broadcast_in_dim3A_227, %select_n3A_188 : vector<128x17x128xi1>, vector<128x17x128xf32>
    %reduce_max3A_229 = arith.constant dense<0xFF800000> : vector<128x17xf32>
    %reduce_max3A_230 = vector.multi_reduction <maximumf>, %select_n3A_228, %reduce_max3A_229 [2] : vector<128x17x128xf32> to vector<128x17xf32>
    %broadcast_in_dim3A_231 = vector.shape_cast %reduce_max3A_230 : vector<128x17xf32> to vector<128x17x1xf32>
    %reduce_max3A_232 = arith.constant dense<0xFF800000> : vector<128x1xf32>
    %reduce_max3A_233 = vector.multi_reduction <maximumf>, %broadcast_in_dim3A_231, %reduce_max3A_232 [1] : vector<128x17x1xf32> to vector<128x1xf32>
    %broadcast_in_dim3A_234 = vector.shape_cast %reduce_max3A_233 : vector<128x1xf32> to vector<128x1x1xf32>
    %eq3A_235 = vector.broadcast %broadcast_in_dim3A_234 : vector<128x1x1xf32> to vector<128x17x128xf32>
    %eq3A_236 = arith.cmpf oeq, %select_n3A_228, %eq3A_235 : vector<128x17x128xf32>
    %jit3A_237 = arith.constant 1073741824 : i32
    %broadcast_in_dim3A_238 = vector.broadcast %jit3A_237 : i32 to vector<128x17x128xi32>
    %select_n3A_239 = arith.select %eq3A_236, %concatenate3A_29, %broadcast_in_dim3A_238 : vector<128x17x128xi1>, vector<128x17x128xi32>
    %reduce_min3A_240 = arith.constant dense<2147483647> : vector<128x17xi32>
    %reduce_min3A_241 = vector.multi_reduction <minsi>, %select_n3A_239, %reduce_min3A_240 [2] : vector<128x17x128xi32> to vector<128x17xi32>
    %broadcast_in_dim3A_242 = vector.shape_cast %reduce_min3A_241 : vector<128x17xi32> to vector<128x17x1xi32>
    %reduce_min3A_243 = arith.constant dense<2147483647> : vector<128x1xi32>
    %reduce_min3A_244 = vector.multi_reduction <minsi>, %broadcast_in_dim3A_242, %reduce_min3A_243 [1] : vector<128x17x1xi32> to vector<128x1xi32>
    %broadcast_in_dim3A_245 = vector.shape_cast %reduce_min3A_244 : vector<128x1xi32> to vector<128x1x1xi32>
    %eq3A_246 = arith.constant 5 : i32
    %eq3A_247 = vector.broadcast %eq3A_246 : i32 to vector<128x128xi32>
    %eq3A_248 = arith.cmpi eq, %iota3A, %eq3A_247 : vector<128x128xi32>
    %squeeze3A_249 = vector.shape_cast %broadcast_in_dim3A_234 : vector<128x1x1xf32> to vector<128x1xf32>
    %add3A_250 = arith.constant 1.000000e-10 : f32
    %add3A_251 = vector.broadcast %add3A_250 : f32 to vector<128x1xf32>
    %add3A_252 = arith.addf %squeeze3A_249, %add3A_251 : vector<128x1xf32>
    %log3A_253 = math.log %add3A_252 : vector<128x1xf32>
    %broadcast_in_dim3A_254 = vector.shape_cast %log3A_253 : vector<128x1xf32> to vector<128x1xf32>
    %broadcast_in_dim3A_255 = vector.broadcast %broadcast_in_dim3A_254 : vector<128x1xf32> to vector<128x128xf32>
    %select_n3A_256 = arith.select %eq3A_248, %broadcast_in_dim3A_255, %select_n3A_216 : vector<128x128xi1>, vector<128x128xf32>
    %eq3A_257 = arith.constant 5 : i32
    %eq3A_258 = vector.broadcast %eq3A_257 : i32 to vector<128x128xi32>
    %eq3A_259 = arith.cmpi eq, %iota3A, %eq3A_258 : vector<128x128xi32>
    %squeeze3A_260 = vector.shape_cast %broadcast_in_dim3A_245 : vector<128x1x1xi32> to vector<128x1xi32>
    %broadcast_in_dim3A_261 = vector.shape_cast %squeeze3A_260 : vector<128x1xi32> to vector<128x1xi32>
    %broadcast_in_dim3A_262 = vector.broadcast %broadcast_in_dim3A_261 : vector<128x1xi32> to vector<128x128xi32>
    %select_n3A_263 = arith.select %eq3A_259, %broadcast_in_dim3A_262, %select_n3A_223 : vector<128x128xi1>, vector<128x128xi32>
    %eq3A_264 = vector.broadcast %broadcast_in_dim3A_245 : vector<128x1x1xi32> to vector<128x17x128xi32>
    %eq3A_265 = arith.cmpi eq, %concatenate3A_29, %eq3A_264 : vector<128x17x128xi32>
    %jit3A_266 = arith.constant -1.000000e+30 : f32
    %broadcast_in_dim3A_267 = vector.broadcast %jit3A_266 : f32 to vector<128x17x128xf32>
    %select_n3A_268 = arith.select %eq3A_265, %broadcast_in_dim3A_267, %select_n3A_228 : vector<128x17x128xi1>, vector<128x17x128xf32>
    %reduce_max3A_269 = arith.constant dense<0xFF800000> : vector<128x17xf32>
    %reduce_max3A_270 = vector.multi_reduction <maximumf>, %select_n3A_268, %reduce_max3A_269 [2] : vector<128x17x128xf32> to vector<128x17xf32>
    %broadcast_in_dim3A_271 = vector.shape_cast %reduce_max3A_270 : vector<128x17xf32> to vector<128x17x1xf32>
    %reduce_max3A_272 = arith.constant dense<0xFF800000> : vector<128x1xf32>
    %reduce_max3A_273 = vector.multi_reduction <maximumf>, %broadcast_in_dim3A_271, %reduce_max3A_272 [1] : vector<128x17x1xf32> to vector<128x1xf32>
    %broadcast_in_dim3A_274 = vector.shape_cast %reduce_max3A_273 : vector<128x1xf32> to vector<128x1x1xf32>
    %eq3A_275 = vector.broadcast %broadcast_in_dim3A_274 : vector<128x1x1xf32> to vector<128x17x128xf32>
    %eq3A_276 = arith.cmpf oeq, %select_n3A_268, %eq3A_275 : vector<128x17x128xf32>
    %jit3A_277 = arith.constant 1073741824 : i32
    %broadcast_in_dim3A_278 = vector.broadcast %jit3A_277 : i32 to vector<128x17x128xi32>
    %select_n3A_279 = arith.select %eq3A_276, %concatenate3A_29, %broadcast_in_dim3A_278 : vector<128x17x128xi1>, vector<128x17x128xi32>
    %reduce_min3A_280 = arith.constant dense<2147483647> : vector<128x17xi32>
    %reduce_min3A_281 = vector.multi_reduction <minsi>, %select_n3A_279, %reduce_min3A_280 [2] : vector<128x17x128xi32> to vector<128x17xi32>
    %broadcast_in_dim3A_282 = vector.shape_cast %reduce_min3A_281 : vector<128x17xi32> to vector<128x17x1xi32>
    %reduce_min3A_283 = arith.constant dense<2147483647> : vector<128x1xi32>
    %reduce_min3A_284 = vector.multi_reduction <minsi>, %broadcast_in_dim3A_282, %reduce_min3A_283 [1] : vector<128x17x1xi32> to vector<128x1xi32>
    %broadcast_in_dim3A_285 = vector.shape_cast %reduce_min3A_284 : vector<128x1xi32> to vector<128x1x1xi32>
    %eq3A_286 = arith.constant 6 : i32
    %eq3A_287 = vector.broadcast %eq3A_286 : i32 to vector<128x128xi32>
    %eq3A_288 = arith.cmpi eq, %iota3A, %eq3A_287 : vector<128x128xi32>
    %squeeze3A_289 = vector.shape_cast %broadcast_in_dim3A_274 : vector<128x1x1xf32> to vector<128x1xf32>
    %add3A_290 = arith.constant 1.000000e-10 : f32
    %add3A_291 = vector.broadcast %add3A_290 : f32 to vector<128x1xf32>
    %add3A_292 = arith.addf %squeeze3A_289, %add3A_291 : vector<128x1xf32>
    %log3A_293 = math.log %add3A_292 : vector<128x1xf32>
    %broadcast_in_dim3A_294 = vector.shape_cast %log3A_293 : vector<128x1xf32> to vector<128x1xf32>
    %broadcast_in_dim3A_295 = vector.broadcast %broadcast_in_dim3A_294 : vector<128x1xf32> to vector<128x128xf32>
    %select_n3A_296 = arith.select %eq3A_288, %broadcast_in_dim3A_295, %select_n3A_256 : vector<128x128xi1>, vector<128x128xf32>
    %eq3A_297 = arith.constant 6 : i32
    %eq3A_298 = vector.broadcast %eq3A_297 : i32 to vector<128x128xi32>
    %eq3A_299 = arith.cmpi eq, %iota3A, %eq3A_298 : vector<128x128xi32>
    %squeeze3A_300 = vector.shape_cast %broadcast_in_dim3A_285 : vector<128x1x1xi32> to vector<128x1xi32>
    %broadcast_in_dim3A_301 = vector.shape_cast %squeeze3A_300 : vector<128x1xi32> to vector<128x1xi32>
    %broadcast_in_dim3A_302 = vector.broadcast %broadcast_in_dim3A_301 : vector<128x1xi32> to vector<128x128xi32>
    %select_n3A_303 = arith.select %eq3A_299, %broadcast_in_dim3A_302, %select_n3A_263 : vector<128x128xi1>, vector<128x128xi32>
    %eq3A_304 = vector.broadcast %broadcast_in_dim3A_285 : vector<128x1x1xi32> to vector<128x17x128xi32>
    %eq3A_305 = arith.cmpi eq, %concatenate3A_29, %eq3A_304 : vector<128x17x128xi32>
    %jit3A_306 = arith.constant -1.000000e+30 : f32
    %broadcast_in_dim3A_307 = vector.broadcast %jit3A_306 : f32 to vector<128x17x128xf32>
    %select_n3A_308 = arith.select %eq3A_305, %broadcast_in_dim3A_307, %select_n3A_268 : vector<128x17x128xi1>, vector<128x17x128xf32>
    %reduce_max3A_309 = arith.constant dense<0xFF800000> : vector<128x17xf32>
    %reduce_max3A_310 = vector.multi_reduction <maximumf>, %select_n3A_308, %reduce_max3A_309 [2] : vector<128x17x128xf32> to vector<128x17xf32>
    %broadcast_in_dim3A_311 = vector.shape_cast %reduce_max3A_310 : vector<128x17xf32> to vector<128x17x1xf32>
    %reduce_max3A_312 = arith.constant dense<0xFF800000> : vector<128x1xf32>
    %reduce_max3A_313 = vector.multi_reduction <maximumf>, %broadcast_in_dim3A_311, %reduce_max3A_312 [1] : vector<128x17x1xf32> to vector<128x1xf32>
    %broadcast_in_dim3A_314 = vector.shape_cast %reduce_max3A_313 : vector<128x1xf32> to vector<128x1x1xf32>
    %eq3A_315 = vector.broadcast %broadcast_in_dim3A_314 : vector<128x1x1xf32> to vector<128x17x128xf32>
    %eq3A_316 = arith.cmpf oeq, %select_n3A_308, %eq3A_315 : vector<128x17x128xf32>
    %jit3A_317 = arith.constant 1073741824 : i32
    %broadcast_in_dim3A_318 = vector.broadcast %jit3A_317 : i32 to vector<128x17x128xi32>
    %select_n3A_319 = arith.select %eq3A_316, %concatenate3A_29, %broadcast_in_dim3A_318 : vector<128x17x128xi1>, vector<128x17x128xi32>
    %reduce_min3A_320 = arith.constant dense<2147483647> : vector<128x17xi32>
    %reduce_min3A_321 = vector.multi_reduction <minsi>, %select_n3A_319, %reduce_min3A_320 [2] : vector<128x17x128xi32> to vector<128x17xi32>
    %broadcast_in_dim3A_322 = vector.shape_cast %reduce_min3A_321 : vector<128x17xi32> to vector<128x17x1xi32>
    %reduce_min3A_323 = arith.constant dense<2147483647> : vector<128x1xi32>
    %reduce_min3A_324 = vector.multi_reduction <minsi>, %broadcast_in_dim3A_322, %reduce_min3A_323 [1] : vector<128x17x1xi32> to vector<128x1xi32>
    %broadcast_in_dim3A_325 = vector.shape_cast %reduce_min3A_324 : vector<128x1xi32> to vector<128x1x1xi32>
    %eq3A_326 = arith.constant 7 : i32
    %eq3A_327 = vector.broadcast %eq3A_326 : i32 to vector<128x128xi32>
    %eq3A_328 = arith.cmpi eq, %iota3A, %eq3A_327 : vector<128x128xi32>
    %squeeze3A_329 = vector.shape_cast %broadcast_in_dim3A_314 : vector<128x1x1xf32> to vector<128x1xf32>
    %add3A_330 = arith.constant 1.000000e-10 : f32
    %add3A_331 = vector.broadcast %add3A_330 : f32 to vector<128x1xf32>
    %add3A_332 = arith.addf %squeeze3A_329, %add3A_331 : vector<128x1xf32>
    %log3A_333 = math.log %add3A_332 : vector<128x1xf32>
    %broadcast_in_dim3A_334 = vector.shape_cast %log3A_333 : vector<128x1xf32> to vector<128x1xf32>
    %broadcast_in_dim3A_335 = vector.broadcast %broadcast_in_dim3A_334 : vector<128x1xf32> to vector<128x128xf32>
    %select_n3A_336 = arith.select %eq3A_328, %broadcast_in_dim3A_335, %select_n3A_296 : vector<128x128xi1>, vector<128x128xf32>
    %eq3A_337 = arith.constant 7 : i32
    %eq3A_338 = vector.broadcast %eq3A_337 : i32 to vector<128x128xi32>
    %eq3A_339 = arith.cmpi eq, %iota3A, %eq3A_338 : vector<128x128xi32>
    %squeeze3A_340 = vector.shape_cast %broadcast_in_dim3A_325 : vector<128x1x1xi32> to vector<128x1xi32>
    %broadcast_in_dim3A_341 = vector.shape_cast %squeeze3A_340 : vector<128x1xi32> to vector<128x1xi32>
    %broadcast_in_dim3A_342 = vector.broadcast %broadcast_in_dim3A_341 : vector<128x1xi32> to vector<128x128xi32>
    %select_n3A_343 = arith.select %eq3A_339, %broadcast_in_dim3A_342, %select_n3A_303 : vector<128x128xi1>, vector<128x128xi32>
    %swap3A = arith.constant 0 : index
    %swap3A_344 = arith.constant 0 : index
    %swap3A_345 = vector.load %arg7[%swap3A, %swap3A_344] : memref<128x128xf32, #tpu.memory_space<vmem>>, vector<128x128xf32>
    tpu.vector_store %arg7[%swap3A, %swap3A_344], %select_n3A_336 {strides = array<i32>} : memref<128x128xf32, #tpu.memory_space<vmem>>, vector<128x128xf32>,
    %swap3A_346 = arith.constant 0 : index
    %swap3A_347 = arith.constant 0 : index
    %swap3A_348 = vector.load %arg8[%swap3A_346, %swap3A_347] : memref<128x128xi32, #tpu.memory_space<vmem>>, vector<128x128xi32>
    tpu.vector_store %arg8[%swap3A_346, %swap3A_347], %select_n3A_343 {strides = array<i32>} : memref<128x128xi32, #tpu.memory_space<vmem>>, vector<128x128xi32>,
    return
  }
  func.func @transform_0(%arg0: i32) -> (i32, i32) {
    %c0_i32 = arith.constant 0 : i32
    %c0_i32_0 = arith.constant 0 : i32
    %c0_i32_1 = arith.constant 0 : i32
    return %c0_i32, %c0_i32_0 : i32, i32
  }
  func.func @transform_1(%arg0: i32) -> (i32, i32) {
    %c0_i32 = arith.constant 0 : i32
    %c0_i32_0 = arith.constant 0 : i32
    %c0_i32_1 = arith.constant 0 : i32
    return %c0_i32, %c0_i32_0 : i32, i32
  }
  func.func @transform_2(%arg0: i32) -> (i32, i32) {
    %c0_i32 = arith.constant 0 : i32
    %c0_i32_0 = arith.constant 0 : i32
    %c0_i32_1 = arith.constant 0 : i32
    return %c0_i32, %c0_i32_0 : i32, i32
  }
  func.func @transform_3(%arg0: i32) -> (i32, i32) {
    %c0_i32 = arith.constant 0 : i32
    %c0_i32_0 = arith.constant 0 : i32
    %c0_i32_1 = arith.constant 0 : i32
    return %c0_i32, %c0_i32_0 : i32, i32
  }
  func.func @transform_4(%arg0: i32) -> (i32, i32) {
    %c0_i32 = arith.constant 0 : i32
    %c0_i32_0 = arith.constant 0 : i32
    %c0_i32_1 = arith.constant 0 : i32
    return %c0_i32, %c0_i32_0 : i32, i32
  }
  func.func @transform_5(%arg0: i32) -> (i32, i32) {
    %c0_i32 = arith.constant 0 : i32
    %c0_i32_0 = arith.constant 0 : i32
    %c0_i32_1 = arith.constant 0 : i32
    return %c0_i32, %c0_i32_0 : i32, i32
  }
  func.func @transform_6(%arg0: i32) -> (i32, i32) {
    %c0_i32 = arith.constant 0 : i32
    %c0_i32_0 = arith.constant 0 : i32
    %c0_i32_1 = arith.constant 0 : i32
    return %c0_i32, %c0_i32_0 : i32, i32
  }
  func.func @transform_7(%arg0: i32) -> (i32, i32) {
    %c0_i32 = arith.constant 0 : i32
    %c0_i32_0 = arith.constant 0 : i32
    %c0_i32_1 = arith.constant 0 : i32
    return %c0_i32, %c0_i32_0 : i32, i32
  }
}

</mosaic_0001>

<sc_bundles>
// kernel: kernel.5.cloned.1.call-start
scs
__scs_entry_jumppad:
0x0: {  	(pc) =	sbr.rel $0x88, $3  }
0x1: {  	(tag) =	ssettag $0x0;
	lr =	simm.s32 $0x1  }
0x2: {  	[smem:$0x3F9D] =	sst lr;
	_ =	strace $0xD0000000  }
0x3: {  	_ = 	snop  }
0x4: {  	_ = 	snop  }
0x5: {  	_ = 	snop  }
0x6: {  	_ = 	snop  }
0x7: {  	_ = 	snop  }
__scs_overlays_trampoline_lowered:
0x8: {  	[smem:$0x3FAC] =	sst s0  }
0x9: {  	[smem:$0x3FAD] =	sst s1  }
0xa: {  	[smem:$0x3FAE] =	sst s2  }
0xb: {  	[smem:$0x3FAF] =	sst s3  }
0xc: {  	[smem:$0x3FB0] =	sst s4  }
0xd: {  	[smem:$0x3FB1] =	sst s5  }
0xe: {  	[smem:$0x3FB2] =	sst s6  }
0xf: {  	[smem:$0x3FB3] =	sst s7  }
0x10: {  	[smem:$0x3FB4] =	sst s8  }
0x11: {  	[smem:$0x3FB5] =	sst s9;
	s0 =	simm.s32 @!p0 $0x0  }
0x12: {  	s1 =	sld [smem:$0x3F9B];
	s0 =	simm.s32 @p0 $0x1  }
0x13: {  	[smem:$0x3FB6] =	sst s0;
	s0 =	simm.s32 @!p1 $0x0  }
0x14: {  	s2 =	sld [smem:$0x3F9A];
	s0 =	simm.s32 @p1 $0x1  }
0x15: {  	[smem:$0x3FB7] =	sst s0;
	s0 =	simm.s32 @!p2 $0x0  }
0x16: {  	s3 =	sld [smem:$0x3FDB];
	s0 =	simm.s32 @p2 $0x1  }
0x17: {  	s4 =	simm.s32 $0x1BF5;
	[smem:$0x3FB9] =	sst s0  }
0x18: {  	s0 =	sld [smem:$0x3F9C];
	_ =	swait.ge [sflag:s4], $0x0  }
0x19: {  	s7 =	sld [smem:$0x3F9D]  }
0x1a: {  	s8 =	sadd.s32 $0xFFFFE003, lr  }
0x1b: {  	s9 =	sadd.s32 $0xFFFFFEF7, lr;
	s5 =	simm.s32 $0xFFFFFFFF;
	p2 =	slt.u32 s8, $0xFFFFF086  }
0x1c: {  	p1 =	slt.u32 s9, $0xF7A;
	s5 =	simm.s32 @!p2 $0x0  }
0x1d: {  	s5 =	simm.s32 @p1 $0x1;
	p0 =	seq.s32 s7, s2  }
0x1e: {  	s7 =	smul.u32 @!p0 $0xF7A, s2;
	p2 =	seq.s32 @!p0 s5, $0x0  }
0x1f: {  	s9 =	smul.u32 $0xF7A, s1;
	s8 =	simm.s32 @!p0 $0x1BF5;
	p2 =	por !p2, p0  }
0x20: {  	[sflag:s8] =	ssyncset.s32 @!p0 $0xFFFFF086;
	s6 =	sadd.s32 @!p0 s3, s7;
	s7 =	simm.s32 @!p0 $0x108  }
0x21: {  	s3 =	sadd.s32 s3, s9;
	s6 =	sadd.s32 @!p0 $0x88, s6;
	s7 =	simm.s32 @p2 $0x1082  }
0x22: {  	[simem:s7], [sflag:s8] =	dma.local @!p0 [hbm:s6], $0xF7A  }
0x23: {  	s9 =	sor.u32 $0xD0000000, s2;
	s6 =	simm.s32 $0x108;
	_ =	swait.ge @!p0 [sflag:s8], $0x0  }
0x24: {  	s3 =	sadd.s32 $0x88, s3;
	s6 =	simm.s32 @!p1 $0x1082;
	[sflag:s4] =	ssyncset.s32 $0xFFFFF086  }
0x25: {  	[simem:s6], [sflag:s4] =	dma.local [hbm:s3], $0xF7A  }
0x26: {  	[smem:$0x3F9D] =	sst s1;
	(tag) =	ssettag s2;
	_ =	strace s9  }
0x27: {  	s1 =	sld [smem:$0x3FAD]  }
0x28: {  	s2 =	sld [smem:$0x3FAE]  }
0x29: {  	s4 =	sld [smem:$0x3FB0]  }
0x2a: {  	p0 =	seq.s32 s5, $0x0;
	s5 =	sld [smem:$0x3FB1]  }
0x2b: {  	s6 =	sld [smem:$0x3FB2]  }
0x2c: {  	s7 =	sld [smem:$0x3FB3]  }
0x2d: {  	s3 =	simm.s32 $0x108;
	s8 =	sld [smem:$0x3FB4]  }
0x2e: {  	s3 =	simm.s32 @!p0 $0x1082;
	s9 =	sld [smem:$0x3FB5]  }
0x2f: {  	lr =	sadd.s32 s0, s3;
	s0 =	sld [smem:$0x3FAC]  }
0x30: {  	s3 =	sld [smem:$0x3FAF]  }
0x31: {  	[smem:$0x3FB8] =	sst s10  }
0x32: {  	s10 =	sld [smem:$0x3FB6];
	_ =	sdelay $0x3  }
0x33: {  	p0 =	seq.s32 s10, $0x1;
	s10 =	sld [smem:$0x3FB8];
	_ =	sdelay $0x3  }
0x34: {  	[smem:$0x3FB8] =	sst s10  }
0x35: {  	s10 =	sld [smem:$0x3FB7];
	_ =	sdelay $0x3  }
0x36: {  	p1 =	seq.s32 s10, $0x1;
	s10 =	sld [smem:$0x3FB8];
	_ =	sdelay $0x3  }
0x37: {  	[smem:$0x3FB8] =	sst s10  }
0x38: {  	s10 =	sld [smem:$0x3FB9]  }
0x39: {  	_ = 	snop;
	(pc) =	sbr.ind lr, $3  }
0x3a: {  	_ = 	snop  }
0x3b: {  	_ = 	snop  }
0x3c: {  	p2 =	seq.s32 s10, $0x1;
	s10 =	sld [smem:$0x3FB8]  }
0x3d: {  	_ =	shalt  }
0x3e: {  	_ =	shalt  }
0x3f: {  	_ =	shalt  }
0x40: {  	_ =	shalt  }
0x41: {  	_ =	shalt  }
0x42: {  	_ =	shalt  }
0x43: {  	_ =	shalt  }
0x44: {  	_ =	shalt  }
0x45: {  	_ =	shalt  }
0x46: {  	_ =	shalt  }
0x47: {  	_ =	shalt  }
0x48: {  	_ =	shalt  }
0x49: {  	_ =	shalt  }
0x4a: {  	_ =	shalt  }
0x4b: {  	_ =	shalt  }
0x4c: {  	_ =	shalt  }
0x4d: {  	_ =	shalt  }
0x4e: {  	_ =	shalt  }
0x4f: {  	_ =	shalt  }
0x50: {  	_ =	shalt  }
0x51: {  	_ =	shalt  }
0x52: {  	_ =	shalt  }
0x53: {  	_ =	shalt  }
0x54: {  	_ =	shalt  }
0x55: {  	_ =	shalt  }
0x56: {  	_ =	shalt  }
0x57: {  	_ =	shalt  }
0x58: {  	_ =	shalt  }
0x59: {  	_ =	shalt  }
0x5a: {  	_ =	shalt  }
0x5b: {  	_ =	shalt  }
0x5c: {  	_ =	shalt  }
0x5d: {  	_ =	shalt  }
0x5e: {  	_ =	shalt  }
0x5f: {  	_ =	shalt  }
0x60: {  	_ =	shalt  }
0x61: {  	_ =	shalt  }
0x62: {  	_ =	shalt  }
0x63: {  	_ =	shalt  }
0x64: {  	_ =	shalt  }
0x65: {  	_ =	shalt  }
0x66: {  	_ =	shalt  }
0x67: {  	_ =	shalt  }
0x68: {  	_ =	shalt  }
0x69: {  	_ =	shalt  }
0x6a: {  	_ =	shalt  }
0x6b: {  	_ =	shalt  }
0x6c: {  	_ =	shalt  }
0x6d: {  	_ =	shalt  }
0x6e: {  	_ =	shalt  }
0x6f: {  	_ =	shalt  }
0x70: {  	_ =	shalt  }
0x71: {  	_ =	shalt  }
0x72: {  	_ =	shalt  }
0x73: {  	_ =	shalt  }
0x74: {  	_ =	shalt  }
0x75: {  	_ =	shalt  }
0x76: {  	_ =	shalt  }
0x77: {  	_ =	shalt  }
0x78: {  	_ =	shalt  }
0x79: {  	_ =	shalt  }
0x7a: {  	_ =	shalt  }
0x7b: {  	_ =	shalt  }
0x7c: {  	_ =	shalt  }
0x7d: {  	_ =	shalt  }
0x7e: {  	_ =	shalt  }
0x7f: {  	_ =	shalt  }
0x80: {  	_ =	shalt  }
0x81: {  	_ =	shalt  }
0x82: {  	_ =	shalt  }
0x83: {  	_ =	shalt  }
0x84: {  	_ =	shalt  }
0x85: {  	_ =	shalt  }
0x86: {  	_ =	shalt  }
0x87: {  	_ =	shalt  }
.Lfunc_end0:
.L_simem_size_0:
called_computation_lowered:
.L_overlay_start_0:
0x88: {  	s2 =	sld [smem:$0x3FD9]  }
0x89: {  	s3 =	sld [smem:$0x3FFE];
	_ =	sdelay $0x1  }
0x8a: {  	s1 =	srdreg.scid  }
0x8b: {  	s0 =	sand.u32 $0x1, s1  }
0x8c: {  	s16 =	sshll.u32 s0, $0xA;
	s2 =	sadd.s32 s3, s2  }
0x8d: {  	s2 =	sadd.s32 s2, s16  }
0x8e: {  	[smem:$0x3FC4] =	sst s2  }
0x8f: {  	_ = 	snop  }
0x90: {  	(tm) =	ssettm $0x1  }
0x91: {  	s17 =	sld [smem:$0x3FFB];
	_ =	sdelay $0x3  }
0x92: {  	_ =	strace s17  }
0x93: {  	s2 =	sld [smem:$0x3FFC];
	_ =	sdelay $0x3  }
0x94: {  	_ =	strace s2  }
0x95: {  	s2 =	sld [smem:$0x3FFD];
	_ =	sdelay $0x3  }
0x96: {  	_ =	strace s2  }
0x97: {  	_ =	strace $0x8FFFFFFF  }
0x98: {  	s18 =	sld [smem:$0x3FDB];
	_ =	sdelay $0x1  }
0x99: {  	s19 =	simm.s32 $_scs_section_size  }
0x9a: {  	s4 =	simm.s32 $_size__tile_overlayer_lowered;
	s5 =	simm.s32 $_tile_overlayer_lowered  }
0x9b: {  	s22 =	simm.s32 $0x1BFF;
	s21 =	sshll.u32 s5, $0x1;
	s2 =	sadd.s32 s19, s18  }
0x9c: {  	s6 =	simm.s32 $0x0;
	s20 =	sshll.u32 s4, $0x1;
	s4 =	sadd.s32 s21, s2  }
0x9d: {  	[timem:s6], [sflag:s22] =	dma.local [hbm:s4], s20  }
0x9e: {  	_ =	swait.ge [sflag:s22], s20  }
0x9f: {  	s3 =	ssub.s32 $0x0, s20;
	[sflag:s22] =	ssyncset.done $0x0  }
0xa0: {  	[sflag:s22] =	ssyncadd.s32 s3;
	_ =	sdelay $0x1  }
0xa1: {  	s23 =	simm.s32 $0x1B8B  }
0xa2: {  	_ =	swait.ge [sflag:s23], $0x1  }
0xa3: {  	[sflag:s23] =	ssyncset.done $0x0  }
0xa4: {  	s25 =	simm.s32 $0x1B8E;
	s24 =	sld [smem:$0x3FFE];
	[sflag:s23] =	ssyncadd.s32 $0xFFFFFFFF  }
0xa5: {  	s26 =	simm.s32 $execute0_lowered;
	[smem:$0x3FD2] =	sst s25  }
0xa6: {  	s4 =	sshll.u32 s26, $0x1;
	_ =	strace $0x80000046;
	[dreg:$0x1] =	wrdreg $0xFFFFFFFF  }
0xa7: {  	s28 =	simm.s32 $_size_execute0_lowered;
	s2 =	sadd.s32 s2, s4;
	[dreg:$0x0] =	wrdreg $0x0  }
0xa8: {  	s4 =	sshll.u32 s28, $0x1;
	[dreg:$0x2] =	wrdreg s2  }
0xa9: {  	[dreg:$0x3] =	wrdreg s4  }
0xaa: {  	[dreg:$0x4] =	wrdreg $0xC0  }
0xab: {  	_ =	task [dreg:s6], $0x5FFFF  }
0xac: {  	[dreg:$0x1] =	wrdreg $0xFFFFFFFF  }
0xad: {  	[dreg:$0x0] =	wrdreg $0x60  }
0xae: {  	[dreg:$0x2] =	wrdreg s24  }
0xaf: {  	[dreg:$0x3] =	wrdreg $0x11B800  }
0xb0: {  	[dreg:$0x4] =	wrdreg $0x9  }
0xb1: {  	_ =	task.clear_ibuf [dreg:s6], $0x5FFFF;
	_ =	strace $0x90000046  }
0xb2: {  	s29 =	simm.s32 $0x9;
	_ =	strace $0x80000048  }
0xb3: {  	_ =	swait.ge [sflag:s29], $0x1  }
0xb4: {  	[sflag:s29] =	ssyncadd.s32 $0xFFFFFFFF  }
0xb5: {  	_ =	strace $0x90000048  }
0xb6: {  	_ =	sfence  }
0xb7: {  	s30 =	sld [smem:$0x0];
	_ =	sdelay $0x2  }
0xb8: {  	s31 =	sshll.u32 s1, $0xD;
	s1 =	sshrl.u32 s1, $0x2  }
0xb9: {  	s3 =	sand.u32 $0x4000, s31;
	s1 =	sadd.s32 s1, s30  }
0xba: {  	s0 =	sor.u32 s3, s0;
	s1 =	sshll.u32 s1, $0x11  }
0xbb: {  	s0 =	sor.u32 s1, s0  }
0xbc: {  	s0 =	sadd.s32 $0x8F2B, s0  }
0xbd: {  	[sflag:s0] =	ssyncadd.remote.s32 $0x1  }
0xbe: {  	_ =	sfence.sel $0xFFFF  }
0xbf: {  	[dreg:$0x0] =	wrdreg $0xFFFFFFFF;
	(pc) =	sbr.abs _section_cstart, $3  }
0xc0: {  	[dreg:$0x1] =	wrdreg $0xFFFFFFFF  }
0xc1: {  	_ =	task.clear_ibuf [dreg:s6], $0x2FFFF;
	_ =	strace $0x9FFFFFFF  }
0xc2: {  	(tm) =	ssettm $0x7FFFFFFF  }
0xc3: {  	_ =	shalt  }
tec
execute0_lowered:
.L_overlay_start_1:
0x0: {  	(tag) =	ssettag $0x1  }
0x1: {  	s0 =	rddreg [dreg:$0x0]  }
0x2: {  	s1 =	rddreg [dreg:$0x1];
	s2 =	simm.s32 $0x0;
	s4 =	srdreg.scid  }
0x3: {  	s14 =	stileid.u32;
	s28 =	simm.s32 $0x80;
	s29 =	simm.s32 $0x400  }
0x4: {  	s30 =	simm.s32 $0x3000;
	s31 =	simm.s32 $0x1;
	[smem:$0x7FF] =	sst s2  }
0x5: {  	s2 =	sadd.s32 $0x1200, s0;
	s3 =	sadd.s32 $0xC4A00, s0;
	s5 =	sadd.s32 $0xCCA00, s0  }
0x6: {  	s4 =	sand.u32 $0x1, s4;
	s6 =	sadd.s32 $0xD4A00, s0;
	s8 =	sshll.u32 s14, $0x1  }
0x7: {  	s0 =	sadd.s32 $0xDCA00, s0;
	s10 =	smul.u32 $0x61C00, s14;
	s7 =	ssub.s32 $0x2, s4  }
0x8: {  	s8 =	sor.u32 s4, s8;
	s4 =	sshll.u32 s4, $0x9;
	s9 =	sshrl.u32 s7, $0x1  }
0x9: {  	s16 =	sshll.u32 s8, $0x2;
	s11 =	sshll.u32 s8, $0xA;
	s4 =	sor.u32 s4, s10  }
0xa: {  	s8 =	sshllo.u32 s8, $0x2;
	s7 =	ssub.s32 s7, s9;
	s12 =	sor.u32 $0x1, s16  }
0xb: {  	s13 =	sadd.s32 s5, s11;
	s15 =	sadd.s32 s3, s11;
	s4 =	sshrl.u32 s4, $0x3  }
0xc: {  	s22 =	sadd.s32 s6, s11;
	s9 =	sor.u32 $0x2, s16;
	[dreg:$0x3] =	wrdreg s13  }
0xd: {  	s11 =	sadd.s32 s0, s11;
	s24 =	sshll.u32 s8, $0x7;
	[dreg:$0x4] =	wrdreg s15  }
0xe: {  	s8 =	sshll.u32 s8, $0x8;
	s17 =	sshll.u32 s12, $0x7;
	[dreg:$0x8] =	wrdreg s22  }
0xf: {  	s4 =	sadd.s32 s2, s4;
	s18 =	sshll.u32 s12, $0x8;
	[dreg:$0xa] =	wrdreg s11  }
0x10: {  	s23 =	sshll.u32 s9, $0x7;
	s9 =	sshll.u32 s9, $0x8;
	s16 =	sadd.s32 s5, s8  }
0x11: {  	s22 =	sadd.s32 s6, s8;
	s13 =	sand.u32 $0x280, s17;
	[dreg:$0x5] =	wrdreg s4  }
0x12: {  	s20 =	sadd.s32 s5, s18;
	s21 =	sadd.s32 s3, s18;
	[dreg:$0x10] =	wrdreg s16  }
0x13: {  	s11 =	sand.u32 $0x300, s23;
	s25 =	sadd.s32 s5, s9;
	[dreg:$0x6] =	wrdreg s20  }
0x14: {  	s26 =	sadd.s32 s3, s9;
	s15 =	sadd.s32 s6, s18;
	[dreg:$0x7] =	wrdreg s21  }
0x15: {  	s4 =	sadd.s32 s0, s18;
	s3 =	sadd.s32 s3, s8;
	[dreg:$0xb] =	wrdreg s25  }
0x16: {  	s18 =	smul.u32 $0xC800, s14;
	s23 =	sadd.s32 s0, s8;
	[dreg:$0xc] =	wrdreg s26  }
0x17: {  	s5 =	simm.s32 $0x6;
	s8 =	simm.s32 $0x2800;
	[dreg:$0xd] =	wrdreg s15  }
0x18: {  	s14 =	simm.s32 $0x5;
	s19 =	sor.u32 s10, s13;
	[dreg:$0xf] =	wrdreg s4  }
0x19: {  	s11 =	sor.u32 s10, s11;
	[dreg:$0x11] =	wrdreg s3;
	s20 =	sadd.s32 s6, s9  }
0x1a: {  	s21 =	sadd.s32 s0, s9;
	s26 =	simm.s32 $0x1000;
	s0 =	simm.s32 $0x800  }
0x1b: {  	s3 =	simm.s32 $0x1800;
	s4 =	simm.s32 $0x11380;
	s6 =	simm.s32 $0xF380  }
0x1c: {  	s9 =	simm.s32 $0x10380;
	s13 =	simm.s32 $0x4;
	s12 =	sshrl.u32 s19, $0x3  }
0x1d: {  	s15 =	simm.s32 $0x0;
	s11 =	sshrl.u32 s11, $0x3;
	s12 =	sadd.s32 s2, s12  }
0x1e: {  	s25 =	sadd.s32 s18, s1;
	s11 =	sadd.s32 s2, s11;
	[dreg:$0x9] =	wrdreg s12  }
0x1f: {  	s12 =	sand.u32 $0x380, s24;
	[dreg:$0xe] =	wrdreg s11;
	s24 =	smax.u32 s7, $0x1  }
0x20: {  	s7 =	simm.s32 $0x3;
	s11 =	simm.s32 $0xFB80;
	s10 =	sor.u32 s10, s12  }
0x21: {  	_ =	strace $0x80000047;
	s12 =	simm.s32 $0x10B80;
	s17 =	sshrl.u32 s10, $0x3  }
0x22: {  	v1 =	vimm.f32 $0.0e+00;
	v0 =	vmov s18;
	s10 =	simm.s32 $0x2;
	s19 =	sadd.s32 s2, s17;
	s2 =	simm.s32 $0x2000  }
.LBB2_1:
0x23: {  	s16 =	simm.s32 $0x40;
	s17 =	simm.s32 $0x0  }
.LBB2_2:
0x24: {  	p0 =	sne.s32 s16, $0x1FC0;
	[tilespmem:s17+$0x11380] =	vst v1;
	s17 =	smov.u32 s16;
	s16 =	sadd.s32 $0x40, s16  }
.Ltmp0:
0x25: {  	(pc) =	sbr.rel @p0 .LBB2_2-.Ltmp0, $2  }
0x26: {  	_ =	sdelay $0x2  }
0x27: {  	s17 =	sshra.s32 s17, $0x2  }
0x28: {  	[tilespmem:s17+$0x11380] =	vst v1;
	s16 =	simm.s32 $0x0;
	s18 =	rddreg [dreg:$0x3]  }
0x29: {  	[tilespmem:s16], [sflag:$0x1] =	stream.linear.gather [hbm4b:s18+s16], $0x800, $0x38;
	[tilespmem:$0x1E380] =	vst v63  }
0x2a: {  	s18 =	rddreg [dreg:$0x4]  }
0x2b: {  	[tilespmem:s26], [sflag:$0x1] =	stream.linear.gather [hbm4b:s18+s16], $0x800, $0x38;
	[tilespmem:$0x1E380] =	vst v63  }
0x2c: {  	s18 =	rddreg [dreg:$0x5]  }
0x2d: {  	[tilespmem:s30], [sflag:$0x3] =	stream.strided.gather [hbm4b:s18+s28], $0xC380, s29, s28, $0x38;
	[tilespmem:$0x1E380] =	vst v63  }
0x2e: {  	_ =	swait.ge [sflag:s31], $0x800  }
0x2f: {  	[sflag:s31] =	ssyncset.done $0x0  }
0x30: {  	[sflag:s31] =	ssyncadd.s32 $0xFFFFF800  }
0x31: {  	_ =	swait.ge [sflag:s31], $0x800  }
0x32: {  	[sflag:s31] =	ssyncset.done $0x0  }
0x33: {  	s18 =	rddreg [dreg:$0x6];
	[sflag:s31] =	ssyncadd.s32 $0xFFFFF800  }
0x34: {  	[tilespmem:s0], [sflag:$0x2] =	stream.linear.gather [hbm4b:s18+s16], $0x800, $0x38;
	[tilespmem:$0x1E380] =	vst v63  }
0x35: {  	s18 =	rddreg [dreg:$0x7]  }
0x36: {  	[tilespmem:s3], [sflag:$0x2] =	stream.linear.gather [hbm4b:s18+s16], $0x800, $0x38;
	[tilespmem:$0x1E380] =	vst v63  }
0x37: {  	s16 =	simm.s32 $0x0  }
0x38: {  	s17 =	simm.s32 $0x40;
	v2 =	vld [tilespmem:s16+$0x0]  }
.LBB2_4:
0x39: {  	_ =	sdelay $0x1  }
0x3a: {  	p0 =	sne.s32 s17, $0x1FC0  }
.Ltmp1:
0x3b: {  	_ = 	snop;
	(pc) =	sbr.rel @p0 .LBB2_4-.Ltmp1, $4  }
0x3c: {  	v3 =	vadd.s32 v0, v2;
	vm0 =	vlt.s32 v2, $0xC34F  }
0x3d: {  	[tilespmem:s16+$0x2000] =	vst v3;
	v3 =	vnsel vm0, $0xC34F, v2  }
0x3e: {  	s18 =	sshra.s32 s17, $0x2;
	v3 =	vadd.s32 v0, v3  }
0x3f: {  	s17 =	sadd.s32 $0x40, s17;
	v2 =	vld [tilespmem:s18+$0x0];
	[tilespmem:s16+$0x2800] =	vst v3;
	s16 =	smov.u32 s18  }
0x40: {  	_ =	sdelay $0x3  }
0x41: {  	vm0 =	vlt.s32 v2, $0xC34F  }
0x42: {  	v3 =	vadd.s32 v0, v2;
	v2 =	vnsel vm0, $0xC34F, v2  }
0x43: {  	[tilespmem:s16+$0x2000] =	vst v3;
	v2 =	vadd.s32 v0, v2  }
0x44: {  	[tilespmem:s16+$0x2800] =	vst v2  }
0x45: {  	[spmem:s1] =	stream.indirect.scatter [tilespmem:s4], [sflag:$0x6], $0x1, s2, s0, $0xb8;
	[tilespmem:$0x1E380] =	vst v63  }
0x46: {  	_ =	swait.ge [sflag:s5], $0x800  }
0x47: {  	[sflag:s5] =	ssyncset.done $0x0  }
0x48: {  	[sflag:s5] =	ssyncadd.s32 $0xFFFFF800  }
0x49: {  	[spmem:s1] =	stream.indirect.scatter.add.f32 [tilespmem:s26], [sflag:$0x6], $0x1, s2, s0, $0xb8;
	[tilespmem:$0x1E380] =	vst v63  }
0x4a: {  	_ =	swait.ge [sflag:s5], $0x800  }
0x4b: {  	[sflag:s5] =	ssyncset.done $0x0  }
0x4c: {  	[sflag:s5] =	ssyncadd.s32 $0xFFFFF800  }
0x4d: {  	[tilespmem:s6], [sflag:$0x6] =	stream.indirect.gather [spmem:s1], $0x1, s2, s0, $0xb8;
	[tilespmem:$0x1E380] =	vst v63  }
0x4e: {  	_ =	swait.ge [sflag:s5], $0x800  }
0x4f: {  	[sflag:s5] =	ssyncset.done $0x0  }
0x50: {  	s16 =	simm.s32 $0x0;
	s17 =	rddreg [dreg:$0x8];
	[sflag:s5] =	ssyncadd.s32 $0xFFFFF800  }
0x51: {  	[hbm4b:s17+s16] =	stream.linear.scatter [tilespmem:s6], [sflag:$0x4], $0x800, $0x38;
	[tilespmem:$0x1E380] =	vst v63  }
0x52: {  	_ =	swait.ge [sflag:s7], $0xC380  }
0x53: {  	[sflag:s7] =	ssyncset.done $0x0  }
0x54: {  	[sflag:s7] =	ssyncadd.s32 $0xFFFF3C80  }
0x55: {  	[spmem:s25] =	stream.linear.scatter [tilespmem:s30], [sflag:$0x6], $0xC350, $0x38;
	[tilespmem:$0x1E380] =	vst v63  }
0x56: {  	_ =	swait.ge [sflag:s5], $0xC350  }
0x57: {  	[sflag:s5] =	ssyncset.done $0x0  }
0x58: {  	s18 =	rddreg [dreg:$0x9];
	[sflag:s5] =	ssyncadd.s32 $0xFFFF3CB0  }
0x59: {  	[tilespmem:s30], [sflag:$0x3] =	stream.strided.gather [hbm4b:s18+s28], $0xC380, s29, s28, $0x38;
	[tilespmem:$0x1E380] =	vst v63  }
0x5a: {  	_ = 	snop  }
0x5b: {  	[tilespmem:s9], [sflag:$0x6] =	stream.indirect.gather [spmem:s1], $0x1, s8, s0, $0xb8;
	[tilespmem:$0x1E380] =	vst v63  }
0x5c: {  	_ =	swait.ge [sflag:s5], $0x800  }
0x5d: {  	[sflag:s5] =	ssyncset.done $0x0  }
0x5e: {  	s18 =	rddreg [dreg:$0xa];
	[sflag:s5] =	ssyncadd.s32 $0xFFFFF800  }
0x5f: {  	[hbm4b:s18+s16] =	stream.linear.scatter [tilespmem:s9], [sflag:$0x4], $0x800, $0x38;
	[tilespmem:$0x1E380] =	vst v63  }
0x60: {  	_ =	swait.ge [sflag:s10], $0x800  }
0x61: {  	[sflag:s10] =	ssyncset.done $0x0  }
0x62: {  	[sflag:s10] =	ssyncadd.s32 $0xFFFFF800  }
0x63: {  	_ =	swait.ge [sflag:s10], $0x800  }
0x64: {  	[sflag:s10] =	ssyncset.done $0x0  }
0x65: {  	s18 =	rddreg [dreg:$0xb];
	[sflag:s10] =	ssyncadd.s32 $0xFFFFF800  }
0x66: {  	[tilespmem:s16], [sflag:$0x1] =	stream.linear.gather [hbm4b:s18+s16], $0x800, $0x38;
	[tilespmem:$0x1E380] =	vst v63  }
0x67: {  	s18 =	rddreg [dreg:$0xc]  }
0x68: {  	[tilespmem:s26], [sflag:$0x1] =	stream.linear.gather [hbm4b:s18+s16], $0x800, $0x38;
	[tilespmem:$0x1E380] =	vst v63  }
0x69: {  	s16 =	simm.s32 $0x0  }
0x6a: {  	s17 =	simm.s32 $0x40;
	v2 =	vld [tilespmem:s16+$0x800]  }
.LBB2_6:
0x6b: {  	_ =	sdelay $0x1  }
0x6c: {  	p0 =	sne.s32 s17, $0x1FC0  }
.Ltmp2:
0x6d: {  	_ = 	snop;
	(pc) =	sbr.rel @p0 .LBB2_6-.Ltmp2, $4  }
0x6e: {  	v3 =	vadd.s32 v0, v2;
	vm0 =	vlt.s32 v2, $0xC34F  }
0x6f: {  	[tilespmem:s16+$0x2000] =	vst v3;
	v3 =	vnsel vm0, $0xC34F, v2  }
0x70: {  	s18 =	sshra.s32 s17, $0x2;
	v3 =	vadd.s32 v0, v3  }
0x71: {  	s17 =	sadd.s32 $0x40, s17;
	v2 =	vld [tilespmem:s18+$0x800];
	[tilespmem:s16+$0x2800] =	vst v3;
	s16 =	smov.u32 s18  }
0x72: {  	_ =	sdelay $0x3  }
0x73: {  	vm0 =	vlt.s32 v2, $0xC34F  }
0x74: {  	v3 =	vadd.s32 v0, v2;
	v2 =	vnsel vm0, $0xC34F, v2  }
0x75: {  	[tilespmem:s16+$0x2000] =	vst v3;
	v2 =	vadd.s32 v0, v2  }
0x76: {  	[tilespmem:s16+$0x2800] =	vst v2  }
0x77: {  	[spmem:s1] =	stream.indirect.scatter [tilespmem:s4], [sflag:$0x6], $0x1, s2, s0, $0xb8;
	[tilespmem:$0x1E380] =	vst v63  }
0x78: {  	_ =	swait.ge [sflag:s5], $0x800  }
0x79: {  	[sflag:s5] =	ssyncset.done $0x0  }
0x7a: {  	[sflag:s5] =	ssyncadd.s32 $0xFFFFF800  }
0x7b: {  	[spmem:s1] =	stream.indirect.scatter.add.f32 [tilespmem:s3], [sflag:$0x6], $0x1, s2, s0, $0xb8;
	[tilespmem:$0x1E380] =	vst v63  }
0x7c: {  	_ =	swait.ge [sflag:s5], $0x800  }
0x7d: {  	[sflag:s5] =	ssyncset.done $0x0  }
0x7e: {  	[sflag:s5] =	ssyncadd.s32 $0xFFFFF800  }
0x7f: {  	[tilespmem:s11], [sflag:$0x6] =	stream.indirect.gather [spmem:s1], $0x1, s2, s0, $0xb8;
	[tilespmem:$0x1E380] =	vst v63  }
0x80: {  	_ =	swait.ge [sflag:s5], $0x800  }
0x81: {  	[sflag:s5] =	ssyncset.done $0x0  }
0x82: {  	s16 =	simm.s32 $0x0;
	s17 =	rddreg [dreg:$0xd];
	[sflag:s5] =	ssyncadd.s32 $0xFFFFF800  }
0x83: {  	[hbm4b:s17+s16] =	stream.linear.scatter [tilespmem:s11], [sflag:$0x5], $0x800, $0x38;
	[tilespmem:$0x1E380] =	vst v63  }
0x84: {  	_ =	swait.ge [sflag:s7], $0xC380  }
0x85: {  	[sflag:s7] =	ssyncset.done $0x0  }
0x86: {  	[sflag:s7] =	ssyncadd.s32 $0xFFFF3C80  }
0x87: {  	[spmem:s25] =	stream.linear.scatter [tilespmem:s30], [sflag:$0x6], $0xC350, $0x38;
	[tilespmem:$0x1E380] =	vst v63  }
0x88: {  	_ =	swait.ge [sflag:s5], $0xC350  }
0x89: {  	[sflag:s5] =	ssyncset.done $0x0  }
0x8a: {  	s18 =	rddreg [dreg:$0xe];
	[sflag:s5] =	ssyncadd.s32 $0xFFFF3CB0  }
0x8b: {  	[tilespmem:s30], [sflag:$0x3] =	stream.strided.gather [hbm4b:s18+s28], $0xC380, s29, s28, $0x38;
	[tilespmem:$0x1E380] =	vst v63  }
0x8c: {  	_ = 	snop  }
0x8d: {  	[tilespmem:s12], [sflag:$0x6] =	stream.indirect.gather [spmem:s1], $0x1, s8, s0, $0xb8;
	[tilespmem:$0x1E380] =	vst v63  }
0x8e: {  	_ =	swait.ge [sflag:s5], $0x800  }
0x8f: {  	[sflag:s5] =	ssyncset.done $0x0  }
0x90: {  	s18 =	rddreg [dreg:$0xf];
	[sflag:s5] =	ssyncadd.s32 $0xFFFFF800  }
0x91: {  	[hbm4b:s18+s16] =	stream.linear.scatter [tilespmem:s12], [sflag:$0x5], $0x800, $0x38;
	[tilespmem:$0x1E380] =	vst v63  }
0x92: {  	_ =	swait.ge [sflag:s31], $0x800  }
0x93: {  	[sflag:s31] =	ssyncset.done $0x0  }
0x94: {  	[sflag:s31] =	ssyncadd.s32 $0xFFFFF800  }
0x95: {  	_ =	swait.ge [sflag:s31], $0x800  }
0x96: {  	[sflag:s31] =	ssyncset.done $0x0  }
0x97: {  	s18 =	rddreg [dreg:$0x10];
	[sflag:s31] =	ssyncadd.s32 $0xFFFFF800  }
0x98: {  	[tilespmem:s0], [sflag:$0x2] =	stream.linear.gather [hbm4b:s18+s16], $0x800, $0x38;
	[tilespmem:$0x1E380] =	vst v63  }
0x99: {  	s18 =	rddreg [dreg:$0x11]  }
0x9a: {  	[tilespmem:s3], [sflag:$0x2] =	stream.linear.gather [hbm4b:s18+s16], $0x800, $0x38;
	[tilespmem:$0x1E380] =	vst v63  }
0x9b: {  	_ =	swait.ge [sflag:s13], $0x800  }
0x9c: {  	[sflag:s13] =	ssyncset.done $0x0  }
0x9d: {  	[sflag:s13] =	ssyncadd.s32 $0xFFFFF800  }
0x9e: {  	_ =	swait.ge [sflag:s13], $0x800  }
0x9f: {  	[sflag:s13] =	ssyncset.done $0x0  }
0xa0: {  	s16 =	simm.s32 $0x0;
	[sflag:s13] =	ssyncadd.s32 $0xFFFFF800  }
0xa1: {  	s17 =	simm.s32 $0x40;
	v2 =	vld [tilespmem:s16+$0x0]  }
.LBB2_8:
0xa2: {  	_ =	sdelay $0x1  }
0xa3: {  	p0 =	sne.s32 s17, $0x1FC0  }
.Ltmp3:
0xa4: {  	_ = 	snop;
	(pc) =	sbr.rel @p0 .LBB2_8-.Ltmp3, $4  }
0xa5: {  	v3 =	vadd.s32 v0, v2;
	vm0 =	vlt.s32 v2, $0xC34F  }
0xa6: {  	[tilespmem:s16+$0x2000] =	vst v3;
	v3 =	vnsel vm0, $0xC34F, v2  }
0xa7: {  	s18 =	sshra.s32 s17, $0x2;
	v3 =	vadd.s32 v0, v3  }
0xa8: {  	s17 =	sadd.s32 $0x40, s17;
	v2 =	vld [tilespmem:s18+$0x0];
	[tilespmem:s16+$0x2800] =	vst v3;
	s16 =	smov.u32 s18  }
0xa9: {  	_ =	sdelay $0x3  }
0xaa: {  	vm0 =	vlt.s32 v2, $0xC34F  }
0xab: {  	v3 =	vadd.s32 v0, v2;
	v2 =	vnsel vm0, $0xC34F, v2  }
0xac: {  	[tilespmem:s16+$0x2000] =	vst v3;
	v2 =	vadd.s32 v0, v2  }
0xad: {  	[tilespmem:s16+$0x2800] =	vst v2  }
0xae: {  	[spmem:s1] =	stream.indirect.scatter [tilespmem:s4], [sflag:$0x6], $0x1, s2, s0, $0xb8;
	[tilespmem:$0x1E380] =	vst v63  }
0xaf: {  	_ =	swait.ge [sflag:s5], $0x800  }
0xb0: {  	[sflag:s5] =	ssyncset.done $0x0  }
0xb1: {  	[sflag:s5] =	ssyncadd.s32 $0xFFFFF800  }
0xb2: {  	[spmem:s1] =	stream.indirect.scatter.add.f32 [tilespmem:s26], [sflag:$0x6], $0x1, s2, s0, $0xb8;
	[tilespmem:$0x1E380] =	vst v63  }
0xb3: {  	_ =	swait.ge [sflag:s5], $0x800  }
0xb4: {  	[sflag:s5] =	ssyncset.done $0x0  }
0xb5: {  	[sflag:s5] =	ssyncadd.s32 $0xFFFFF800  }
0xb6: {  	[tilespmem:s6], [sflag:$0x6] =	stream.indirect.gather [spmem:s1], $0x1, s2, s0, $0xb8;
	[tilespmem:$0x1E380] =	vst v63  }
0xb7: {  	_ =	swait.ge [sflag:s5], $0x800  }
0xb8: {  	[sflag:s5] =	ssyncset.done $0x0  }
0xb9: {  	s18 =	simm.s32 $0x0;
	[sflag:s5] =	ssyncadd.s32 $0xFFFFF800  }
0xba: {  	[hbm4b:s20+s18] =	stream.linear.scatter [tilespmem:s6], [sflag:$0x4], $0x800, $0x38;
	[tilespmem:$0x1E380] =	vst v63  }
0xbb: {  	_ =	swait.ge [sflag:s7], $0xC380  }
0xbc: {  	[sflag:s7] =	ssyncset.done $0x0  }
0xbd: {  	[sflag:s7] =	ssyncadd.s32 $0xFFFF3C80  }
0xbe: {  	[spmem:s25] =	stream.linear.scatter [tilespmem:s30], [sflag:$0x6], $0xC350, $0x38;
	[tilespmem:$0x1E380] =	vst v63  }
0xbf: {  	_ =	swait.ge [sflag:s5], $0xC350  }
0xc0: {  	[sflag:s5] =	ssyncset.done $0x0  }
0xc1: {  	[sflag:s5] =	ssyncadd.s32 $0xFFFF3CB0  }
0xc2: {  	[tilespmem:s30], [sflag:$0x3] =	stream.strided.gather [hbm4b:s19+s28], $0xC380, s29, s28, $0x38;
	[tilespmem:$0x1E380] =	vst v63  }
0xc3: {  	_ = 	snop  }
0xc4: {  	[tilespmem:s9], [sflag:$0x6] =	stream.indirect.gather [spmem:s1], $0x1, s8, s0, $0xb8;
	[tilespmem:$0x1E380] =	vst v63  }
0xc5: {  	_ =	swait.ge [sflag:s5], $0x800  }
0xc6: {  	[sflag:s5] =	ssyncset.done $0x0  }
0xc7: {  	[sflag:s5] =	ssyncadd.s32 $0xFFFFF800  }
0xc8: {  	[hbm4b:s21+s18] =	stream.linear.scatter [tilespmem:s9], [sflag:$0x4], $0x800, $0x38;
	[tilespmem:$0x1E380] =	vst v63  }
0xc9: {  	_ =	swait.ge [sflag:s10], $0x800  }
0xca: {  	[sflag:s10] =	ssyncset.done $0x0  }
0xcb: {  	[sflag:s10] =	ssyncadd.s32 $0xFFFFF800  }
0xcc: {  	_ =	swait.ge [sflag:s10], $0x800  }
0xcd: {  	[sflag:s10] =	ssyncset.done $0x0  }
0xce: {  	[sflag:s10] =	ssyncadd.s32 $0xFFFFF800  }
0xcf: {  	_ =	swait.ge [sflag:s14], $0x800  }
0xd0: {  	[sflag:s14] =	ssyncset.done $0x0  }
0xd1: {  	[sflag:s14] =	ssyncadd.s32 $0xFFFFF800  }
0xd2: {  	_ =	swait.ge [sflag:s14], $0x800  }
0xd3: {  	[sflag:s14] =	ssyncset.done $0x0  }
0xd4: {  	s16 =	simm.s32 $0x0;
	[sflag:s14] =	ssyncadd.s32 $0xFFFFF800  }
0xd5: {  	s17 =	simm.s32 $0x40;
	v2 =	vld [tilespmem:s16+$0x800]  }
.LBB2_10:
0xd6: {  	_ =	sdelay $0x1  }
0xd7: {  	p0 =	sne.s32 s17, $0x1FC0  }
.Ltmp4:
0xd8: {  	_ = 	snop;
	(pc) =	sbr.rel @p0 .LBB2_10-.Ltmp4, $4  }
0xd9: {  	v3 =	vadd.s32 v0, v2;
	vm0 =	vlt.s32 v2, $0xC34F  }
0xda: {  	[tilespmem:s16+$0x2000] =	vst v3;
	v3 =	vnsel vm0, $0xC34F, v2  }
0xdb: {  	s18 =	sshra.s32 s17, $0x2;
	v3 =	vadd.s32 v0, v3  }
0xdc: {  	s17 =	sadd.s32 $0x40, s17;
	v2 =	vld [tilespmem:s18+$0x800];
	[tilespmem:s16+$0x2800] =	vst v3;
	s16 =	smov.u32 s18  }
0xdd: {  	_ =	sdelay $0x3  }
0xde: {  	vm0 =	vlt.s32 v2, $0xC34F  }
0xdf: {  	v3 =	vadd.s32 v0, v2;
	v2 =	vnsel vm0, $0xC34F, v2  }
0xe0: {  	[tilespmem:s16+$0x2000] =	vst v3;
	v2 =	vadd.s32 v0, v2  }
0xe1: {  	[tilespmem:s16+$0x2800] =	vst v2  }
0xe2: {  	[spmem:s1] =	stream.indirect.scatter [tilespmem:s4], [sflag:$0x6], $0x1, s2, s0, $0xb8;
	[tilespmem:$0x1E380] =	vst v63  }
0xe3: {  	_ =	swait.ge [sflag:s5], $0x800  }
0xe4: {  	[sflag:s5] =	ssyncset.done $0x0  }
0xe5: {  	[sflag:s5] =	ssyncadd.s32 $0xFFFFF800  }
0xe6: {  	[spmem:s1] =	stream.indirect.scatter.add.f32 [tilespmem:s3], [sflag:$0x6], $0x1, s2, s0, $0xb8;
	[tilespmem:$0x1E380] =	vst v63  }
0xe7: {  	_ =	swait.ge [sflag:s5], $0x800  }
0xe8: {  	[sflag:s5] =	ssyncset.done $0x0  }
0xe9: {  	[sflag:s5] =	ssyncadd.s32 $0xFFFFF800  }
0xea: {  	[tilespmem:s11], [sflag:$0x6] =	stream.indirect.gather [spmem:s1], $0x1, s2, s0, $0xb8;
	[tilespmem:$0x1E380] =	vst v63  }
0xeb: {  	_ =	swait.ge [sflag:s5], $0x800  }
0xec: {  	[sflag:s5] =	ssyncset.done $0x0  }
0xed: {  	s18 =	simm.s32 $0x0;
	[sflag:s5] =	ssyncadd.s32 $0xFFFFF800  }
0xee: {  	[hbm4b:s22+s18] =	stream.linear.scatter [tilespmem:s11], [sflag:$0x5], $0x800, $0x38;
	[tilespmem:$0x1E380] =	vst v63  }
0xef: {  	_ =	swait.ge [sflag:s7], $0xC380  }
0xf0: {  	[sflag:s7] =	ssyncset.done $0x0  }
0xf1: {  	[sflag:s7] =	ssyncadd.s32 $0xFFFF3C80  }
0xf2: {  	[spmem:s25] =	stream.linear.scatter [tilespmem:s30], [sflag:$0x6], $0xC350, $0x38;
	[tilespmem:$0x1E380] =	vst v63  }
0xf3: {  	_ =	swait.ge [sflag:s5], $0xC350  }
0xf4: {  	[sflag:s5] =	ssyncset.done $0x0  }
0xf5: {  	[sflag:s5] =	ssyncadd.s32 $0xFFFF3CB0  }
0xf6: {  	[tilespmem:s12], [sflag:$0x6] =	stream.indirect.gather [spmem:s1], $0x1, s8, s0, $0xb8;
	[tilespmem:$0x1E380] =	vst v63  }
0xf7: {  	_ =	swait.ge [sflag:s5], $0x800  }
0xf8: {  	[sflag:s5] =	ssyncset.done $0x0  }
0xf9: {  	[sflag:s5] =	ssyncadd.s32 $0xFFFFF800  }
0xfa: {  	[hbm4b:s23+s18] =	stream.linear.scatter [tilespmem:s12], [sflag:$0x5], $0x800, $0x38;
	[tilespmem:$0x1E380] =	vst v63  }
0xfb: {  	_ =	swait.ge [sflag:s13], $0x800  }
0xfc: {  	[sflag:s13] =	ssyncset.done $0x0  }
0xfd: {  	[sflag:s13] =	ssyncadd.s32 $0xFFFFF800  }
0xfe: {  	_ =	swait.ge [sflag:s13], $0x800  }
0xff: {  	[sflag:s13] =	ssyncset.done $0x0  }
0x100: {  	s15 =	sadd.s32 $0x1, s15;
	[sflag:s13] =	ssyncadd.s32 $0xFFFFF800  }
0x101: {  	p0 =	sne.s32 s15, s24;
	_ =	swait.ge [sflag:s14], $0x800  }
.Ltmp5:
0x102: {  	[sflag:s14] =	ssyncset.done $0x0;
	(pc) =	sbr.rel @p0 .LBB2_1-.Ltmp5, $4  }
0x103: {  	[sflag:s14] =	ssyncadd.s32 $0xFFFFF800  }
0x104: {  	_ =	swait.ge [sflag:s14], $0x800  }
0x105: {  	[sflag:s14] =	ssyncset.done $0x0  }
0x106: {  	[sflag:s14] =	ssyncadd.s32 $0xFFFFF800  }
0x107: {  	_ =	sfence.sel $0x180000  }
0x108: {  	[bflag:$0x0] =	sbarrier.arrive $0xFFFF  }
0x109: {  	_ =	strace $0x90000047  }
0x10a: {  	s0 =	stileid.u32;
	[bflag:$0x2] =	sbarrier.arrive $0xFFFF  }
0x10b: {  	p0 =	sne.s32 s0, $0x0;
	s0 =	rddreg [dreg:$0x2]  }
0x10c: {  	s0 =	sadd.s32 @!p0 $0x100000, s0  }
0x10d: {  	[sflag:s0] =	ssyncadd.tile.s32 @!p0 $0x1;
	_ =	shalt  }
.Lfunc_end2:
_tile_overlayer_lowered:
.L_overlay_start_2:
0x10e: {  	(tag) =	ssettag $0x2  }
0x10f: {  	s0 =	rddreg [dreg:$0x0];
	s2 =	stileid.u32  }
0x110: {  	s1 =	rddreg [dreg:$0x1];
	p0 =	sne.s32 s2, $0x0  }
0x111: {  	s3 =	rddreg [dreg:$0x2];
	[bflag:$0x3] =	sbarrier.arrive $0xFFFF;
	s2 =	simm.s32 @!p0 $0x1C06  }
0x112: {  	[timem:s3], [sflag:s2] =	dma.local @!p0 [hbm:s0], s1  }
0x113: {  	s0 =	simm.s32 @!p0 $0x6  }
0x114: {  	_ =	swait.ge @!p0 [sflag:s0], s1  }
0x115: {  	s1 =	ssub.s32 @!p0 $0x0, s1;
	[sflag:s0] =	ssyncset.done @!p0 $0x0  }
0x116: {  	[sflag:s0] =	ssyncadd.s32 @!p0 s1  }
0x117: {  	[bflag:$0x3] =	sbarrier.arrive $0xFFFF  }
0x118: {  	_ =	shalt  }

</sc_bundles>
